<compile_context>
chip_gen: v7x
topology: tpu7x:2x2x1
jax: 0.10.2.dev20260603
libtpu: 0.0.44.dev20260713+nightly
codegen_flags: <defaults>
</compile_context>

<pallas_src>
import functools

import jax
import jax.numpy as jnp
from jax import lax
from jax.experimental import pallas as pl
from jax.experimental.pallas import tpu as pltpu
import jax.experimental.pallas.tpu_sc as plsc

N = 10000
E = 320000
NFEAT = 128
NHID = 64
ANO = 500

NC = 2
NS = 16
L = 16
NW = NC * NS

EPW = E // NW
CH = 80
NCHUNK = EPW // CH
RPT = 624
TAIL = N - NS * RPT
ZR = 48


def _make_spmm(F):
    mesh = plsc.VectorSubcoreMesh(core_axis_name="c", subcore_axis_name="s")

    @functools.partial(
        pl.kernel,
        out_type=jax.ShapeDtypeStruct((NC, N, F), jnp.float32),
        mesh=mesh,
        compiler_params=pltpu.CompilerParams(use_tc_tiling_on_sc=(F == 128)),
        scratch_types=[
            pltpu.VMEM((EPW,), jnp.int32),
            pltpu.VMEM((EPW,), jnp.int32),
            pltpu.VMEM((CH,), jnp.int32),
            pltpu.VMEM((CH, F), jnp.float32),
            pltpu.VMEM((CH, F), jnp.float32),
            pltpu.VMEM((ZR, F), jnp.float32),
            pltpu.VMEM_SHARED((N, F), jnp.float32),
            pltpu.SemaphoreType.DMA,
            pltpu.SemaphoreType.DMA,
        ],
    )
    def spmm(support, src, dst, out, sidx_all, didx_all, didx, rows0, rows1,
             zbuf, acc, sem0, sem1):
        c = lax.axis_index("c")
        s = lax.axis_index("s")
        wid = c * NS + s

        def zfill(r, _):
            def zrow(k, _):
                zbuf[r, pl.ds(k * L, L)] = jnp.zeros((L,), jnp.float32)
                return 0
            lax.fori_loop(0, F // L, zrow, 0)
            return 0
        lax.fori_loop(0, ZR, zfill, 0)
        r0 = s * RPT
        def zero_body(rep, _):
            pltpu.sync_copy(zbuf, acc.at[pl.ds(r0 + rep * ZR, ZR)])
            return 0
        lax.fori_loop(0, RPT // ZR, zero_body, 0)

        @pl.when(s == NS - 1)
        def _zero_tail():
            pltpu.sync_copy(zbuf.at[pl.ds(0, TAIL)],
                            acc.at[pl.ds(NS * RPT, TAIL)])
        plsc.subcore_barrier()

        base = wid * EPW
        pltpu.sync_copy(src.at[pl.ds(base, EPW)], sidx_all)
        pltpu.sync_copy(dst.at[pl.ds(base, EPW)], didx_all)

        def fire(g, buf, sem):
            pltpu.async_copy(support.at[sidx_all.at[pl.ds(g * CH, CH)]],
                             buf, sem)

        def do_chunk(g, buf, sem, nbuf, nsem, fire_next):
            if fire_next:
                fire(g + 1, nbuf, nsem)
            pltpu.make_async_copy(support.at[pl.ds(0, CH)], buf, sem).wait()
            def cp(k, _):
                didx[pl.ds(k * L, L)] = didx_all[pl.ds(g * CH + k * L, L)]
                return 0
            lax.fori_loop(0, CH // L, cp, 0)
            pltpu.sync_copy(buf, acc.at[didx], add=True)

        fire(0, rows0, sem0)
        def pair(go, _):
            g0 = go * 2
            do_chunk(g0, rows0, sem0, rows1, sem1, True)
            do_chunk(g0 + 1, rows1, sem1, rows0, sem0, True)
            return 0
        lax.fori_loop(0, (NCHUNK - 1) // 2, pair, 0)
        do_chunk(NCHUNK - 1, rows0, sem0, rows1, sem1, False)
        plsc.subcore_barrier()

        pltpu.sync_copy(acc.at[pl.ds(r0, RPT)], out.at[c, pl.ds(r0, RPT)])

        @pl.when(s == NS - 1)
        def _write_tail():
            pltpu.sync_copy(acc.at[pl.ds(NS * RPT, TAIL)],
                            out.at[c, pl.ds(NS * RPT, TAIL)])

    return spmm


_spmm128 = _make_spmm(NFEAT)
_spmm64 = _make_spmm(NHID)



_BM = 1000


def _mm_body(x_ref, w_ref, o_ref):
    o_ref[...] = jnp.dot(x_ref[...], w_ref[...],
                         preferred_element_type=jnp.float32)


def _support1(nodes, W1):
    return pl.pallas_call(
        _mm_body,
        grid=(N // _BM,),
        in_specs=[
            pl.BlockSpec((_BM, NFEAT), lambda i: (i, 0)),
            pl.BlockSpec((NFEAT, 2 * NHID), lambda i: (0, 0)),
        ],
        out_specs=pl.BlockSpec((_BM, 2 * NHID), lambda i: (i, 0)),
        out_shape=jax.ShapeDtypeStruct((N, 2 * NHID), jnp.float32),
    )(nodes, W1)


def _layer2_body(p0_ref, p1_ref, b1_ref, w2_ref, o_ref):
    h = jax.nn.relu(p0_ref[...] + p1_ref[...] + b1_ref[...])
    o_ref[...] = jnp.dot(h, w2_ref[...], preferred_element_type=jnp.float32)


def _support2(p0, p1, b1, W2):
    F = 2 * NHID
    return pl.pallas_call(
        _layer2_body,
        grid=(N // _BM,),
        in_specs=[
            pl.BlockSpec((_BM, F), lambda i: (i, 0)),
            pl.BlockSpec((_BM, F), lambda i: (i, 0)),
            pl.BlockSpec((1, F), lambda i: (0, 0)),
            pl.BlockSpec((F, NHID), lambda i: (0, 0)),
        ],
        out_specs=pl.BlockSpec((_BM, NHID), lambda i: (i, 0)),
        out_shape=jax.ShapeDtypeStruct((N, NHID), jnp.float32),
    )(p0, p1, b1, W2)


def _score_body(p0_ref, p1_ref, b2_ref, wv_ref, bv_ref, o_ref):
    emb = p0_ref[...] + p1_ref[...] + b2_ref[...]
    logit = jnp.dot(emb, wv_ref[...],
                    preferred_element_type=jnp.float32) + bv_ref[...]
    o_ref[...] = jax.nn.sigmoid(logit)


def _scores(p0, p1, b2, Wv, bv):
    return pl.pallas_call(
        _score_body,
        grid=(N // _BM,),
        in_specs=[
            pl.BlockSpec((_BM, NHID), lambda i: (i, 0)),
            pl.BlockSpec((_BM, NHID), lambda i: (i, 0)),
            pl.BlockSpec((1, NHID), lambda i: (0, 0)),
            pl.BlockSpec((NHID, 1), lambda i: (0, 0)),
            pl.BlockSpec((1, 1), lambda i: (0, 0)),
        ],
        out_specs=pl.BlockSpec((_BM, 1), lambda i: (i, 0)),
        out_shape=jax.ShapeDtypeStruct((N, 1), jnp.float32),
    )(p0, p1, b2, Wv, bv)


def kernel(nodes, labels, adj, anomaly_list, norm_list, W1, b1, W2, b2, Wv, bv):
    src = adj[0]
    dst = adj[1]

    support1 = _support1(nodes, W1)
    part1 = _spmm128(support1, src, dst)
    support2 = _support2(part1[0], part1[1], b1.reshape(1, -1), W2)
    part2 = _spmm64(support2, src, dst)
    pred_score = _scores(part2[0], part2[1], b2.reshape(1, -1), Wv,
                         bv.reshape(1, 1))

    s = pred_score[:, 0]
    anomaly_scores = s[anomaly_list]
    norm_scores = s[norm_list]
    thresholds = 0.5 * (jnp.mean(anomaly_scores) + jnp.mean(norm_scores))
    topv, topi = jax.lax.top_k(s, ANO)
    mask_index = jnp.where(topv > thresholds, topi, -1)
    return (mask_index, thresholds, pred_score)

# --- scband reference (transcript-rebuilt; emitter-appended) ---
"""Pipeline reference for scband-gdn-aug-39444979646866 (READ-ONLY COPY).

The authoritative reference and input builder live on the scoring server;
editing this copy changes nothing except your own understanding.
"""

import jax, jax.numpy as jnp
import numpy as np

N = 10000
E = 320000
NFEAT = 128
NHID = 64
ANO = 500


def setup_inputs(seed: int = 0) -> dict:
    key = jax.random.key(seed)
    ks = jax.random.split(key, 12)
    nodes = jax.random.normal(ks[0], (N, NFEAT), dtype=jnp.float32)
    labels = jax.random.randint(ks[1], (N,), 0, 2, dtype=jnp.int32)
    adj = jax.random.randint(ks[2], (2, E), 0, N, dtype=jnp.int32)
    anomaly_list = jax.random.randint(ks[3], (ANO,), 0, N, dtype=jnp.int32)
    norm_list = jax.random.randint(ks[4], (ANO,), 0, N, dtype=jnp.int32)
    # GraphConvolution (Kipf-style) parameters
    W1 = jax.random.normal(ks[5], (NFEAT, 2 * NHID), dtype=jnp.float32) * (1.0 / np.sqrt(NFEAT))
    b1 = jnp.zeros((2 * NHID,), dtype=jnp.float32)
    W2 = jax.random.normal(ks[6], (2 * NHID, NHID), dtype=jnp.float32) * (1.0 / np.sqrt(2 * NHID))
    b2 = jnp.zeros((NHID,), dtype=jnp.float32)
    # RL_Valu outlier-scorer parameters (linear scorer on embeddings)
    Wv = jax.random.normal(ks[7], (NHID, 1), dtype=jnp.float32) * (1.0 / np.sqrt(NHID))
    bv = jnp.zeros((1,), dtype=jnp.float32)
    return {"nodes": nodes, "labels": labels, "adj": adj,
            "anomaly_list": anomaly_list, "norm_list": norm_list,
            "W1": W1, "b1": b1, "W2": W2, "b2": b2, "Wv": Wv, "bv": bv}


def _gcn_layer(x, W, b, src, dst):
    # GraphConvolution: support = x @ W ; out = spmm(adj, support) + b
    support = x @ W
    agg = jax.ops.segment_sum(support[src], dst, num_segments=N)
    return agg + b


def reference(nodes, labels, adj, anomaly_list, norm_list, W1, b1, W2, b2, Wv, bv):
    src = adj[0]
    dst = adj[1]
    h = jax.nn.relu(_gcn_layer(nodes, W1, b1, src, dst))
    # dropout skipped (deterministic eval-mode reference)
    embeddings = _gcn_layer(h, W2, b2, src, dst)
    # RL_Valu: per-node anomaly score, threshold from labeled anomalies,
    # mask_index = top-ano_count nodes whose score exceeds the threshold
    pred_score = jax.nn.sigmoid(embeddings @ Wv + bv)  # [N, 1]
    anomaly_scores = pred_score[anomaly_list, 0]
    norm_scores = pred_score[norm_list, 0]
    thresholds = 0.5 * (jnp.mean(anomaly_scores) + jnp.mean(norm_scores))
    s = pred_score[:, 0]
    topv, topi = jax.lax.top_k(s, ANO)
    mask_index = jnp.where(topv > thresholds, topi, -1)
    return (mask_index, thresholds, pred_score)

if __name__ == "__main__":
    import jax
    _d = setup_inputs()
    print(jax.jit(kernel)(*tuple(_d.values())))

</pallas_src>

<mosaic_0001>
#map = affine_map<(d0, d1) -> (0, 0)>
#map1 = affine_map<(d0, d1) -> (0)>
#map2 = affine_map<(d0, d1) -> (0, 0, 0)>
module attributes {stable_mosaic.version = 14 : i64} {
  func.func @spmm(%arg0: i32, %arg1: i32, %arg2: memref<10000x128xf32, #tpu.memory_space<hbm>>, %arg3: memref<320000xi32, #tpu.memory_space<hbm>>, %arg4: memref<320000xi32, #tpu.memory_space<hbm>>, %arg5: memref<2x10000x128xf32, #tpu.memory_space<hbm>>, %arg6: memref<10000xi32, #tpu.memory_space<vmem>>, %arg7: memref<10000xi32, #tpu.memory_space<vmem>>, %arg8: memref<80xi32, #tpu.memory_space<vmem>>, %arg9: memref<80x128xf32, #tpu.memory_space<vmem>>, %arg10: memref<80x128xf32, #tpu.memory_space<vmem>>, %arg11: memref<48x128xf32, #tpu.memory_space<vmem>>, %arg12: memref<10000x128xf32, #tpu.memory_space<vmem_shared>>, %arg13: memref<!tpu.dma_semaphore, #tpu.memory_space<semaphore_mem>>, %arg14: memref<!tpu.dma_semaphore, #tpu.memory_space<semaphore_mem>>) attributes {dimension_semantics = [#tpu.dimension_semantics<core_parallel>, #tpu.dimension_semantics<subcore_parallel>], iteration_bounds = array<i64: 2, 16>, scalar_prefetch = 0 : i64, scratch_operands = 9 : i64, tpu.core_type = #tpu.core_type<sc_vector_subcore>, window_params = [{transform_indices = #map}, {transform_indices = #map1}, {transform_indices = #map1}, {transform_indices = #map2}]} {
    %mul3A = arith.constant 16 : i32
    %mul3A_0 = arith.muli %arg0, %mul3A : i32
    %add3A = arith.addi %mul3A_0, %arg1 : i32
    %scan3A = arith.constant 0 : i32
    %scan3A_1 = arith.constant 0 : i32
    %scan3A_2 = arith.constant 48 : i32
    %scan3A_3 = arith.addi %scan3A_1, %scan3A_2 : i32
    %scan3A_4 = arith.constant 1 : i32
    %scan3A_5 = scf.for %scan3A_49 = %scan3A_1 to %scan3A_3 step %scan3A_4 iter_args(%scan3A_50 = %scan3A) -> (i32)  : i32 {
      %scan3A_51 = arith.constant 0 : i32
      %scan3A_52 = arith.constant 0 : i32
      %scan3A_53 = arith.constant 8 : i32
      %scan3A_54 = arith.addi %scan3A_52, %scan3A_53 : i32
      %scan3A_55 = arith.constant 1 : i32
      %scan3A_56 = scf.for %scan3A_59 = %scan3A_52 to %scan3A_54 step %scan3A_55 iter_args(%scan3A_60 = %scan3A_51) -> (i32)  : i32 {
        %broadcast_in_dim3A = arith.constant 0.000000e+00 : f32
        %broadcast_in_dim3A_61 = vector.broadcast %broadcast_in_dim3A : f32 to vector<16xf32>
        %mul3A_62 = arith.constant 16 : i32
        %mul3A_63 = arith.muli %scan3A_59, %mul3A_62 : i32
        %swap3A = arith.index_cast %scan3A_49 : i32 to index
        %swap3A_64 = arith.index_cast %mul3A_63 : i32 to index
        %swap3A_65 = tpu.vector_load %arg11[%swap3A, %swap3A_64] {strides = array<i32>} : memref<48x128xf32, #tpu.memory_space<vmem>>, vector<1x16xf32>,
        %swap3A_66 = vector.shape_cast %swap3A_65 : vector<1x16xf32> to vector<16xf32>
        %swap3A_67 = vector.shape_cast %broadcast_in_dim3A_61 : vector<16xf32> to vector<1x16xf32>
        tpu.vector_store %arg11[%swap3A, %swap3A_64], %swap3A_67 {strides = array<i32>} : memref<48x128xf32, #tpu.memory_space<vmem>>, vector<1x16xf32>,
        %scan3A_68 = arith.constant 0 : i32
        scf.yield %scan3A_68 : i32
      }
      %scan3A_57 = arith.constant 8 : i32
      %scan3A_58 = arith.constant 0 : i32
      scf.yield %scan3A_58 : i32
    }
    %scan3A_6 = arith.constant 48 : i32
    %mul3A_7 = arith.constant 624 : i32
    %mul3A_8 = arith.muli %arg1, %mul3A_7 : i32
    %scan3A_9 = arith.constant 0 : i32
    %scan3A_10 = arith.constant 0 : i32
    %scan3A_11 = arith.constant 13 : i32
    %scan3A_12 = arith.addi %scan3A_10, %scan3A_11 : i32
    %scan3A_13 = arith.constant 1 : i32
    %scan3A_14 = scf.for %scan3A_49 = %scan3A_10 to %scan3A_12 step %scan3A_13 iter_args(%scan3A_50 = %scan3A_9) -> (i32)  : i32 {
      %mul3A_51 = arith.constant 48 : i32
      %mul3A_52 = arith.muli %scan3A_49, %mul3A_51 : i32
      %add3A_53 = arith.addi %mul3A_8, %mul3A_52 : i32
      "tpu.region"() ({
        %run_scoped3A = tpu.sem_alloc : memref<!tpu.dma_semaphore, #tpu.memory_space<semaphore_mem>>
        %dma_start3A_55 = arith.constant 0 : i32
        %dma_start3A_56 = tpu.memref_slice %arg12[%add3A_53, %dma_start3A_55] : memref<10000x128xf32, #tpu.memory_space<vmem_shared>> -> memref<48x128xf32, #tpu.memory_space<vmem_shared>>
        %dma_start3A_57 = arith.constant 0 : i32
        %dma_start3A_58 = tpu.memref_slice %arg12[%add3A_53, %dma_start3A_57] : memref<10000x128xf32, #tpu.memory_space<vmem_shared>> -> memref<48x128xf32, #tpu.memory_space<vmem_shared>>
        tpu.enqueue_dma source(%arg11 : memref<48x128xf32, #tpu.memory_space<vmem>>) target(%dma_start3A_58 : memref<48x128xf32, #tpu.memory_space<vmem_shared>>) target_semaphore(%run_scoped3A : memref<!tpu.dma_semaphore, #tpu.memory_space<semaphore_mem>>)
        %dma_wait3A_59 = arith.constant 0 : i32
        %dma_wait3A_60 = tpu.memref_slice %arg12[%add3A_53, %dma_wait3A_59] : memref<10000x128xf32, #tpu.memory_space<vmem_shared>> -> memref<48x128xf32, #tpu.memory_space<vmem_shared>>
        %dma_wait3A_61 = arith.constant 0 : i32
        %dma_wait3A_62 = tpu.memref_slice %arg12[%add3A_53, %dma_wait3A_61] : memref<10000x128xf32, #tpu.memory_space<vmem_shared>> -> memref<48x128xf32, #tpu.memory_space<vmem_shared>>
        tpu.wait_dma2 semaphore(%run_scoped3A : memref<!tpu.dma_semaphore, #tpu.memory_space<semaphore_mem>>) src(%arg11 : memref<48x128xf32, #tpu.memory_space<vmem>>) dst(%dma_wait3A_62 : memref<48x128xf32, #tpu.memory_space<vmem_shared>>)
        tpu.yield
      }) : () -> ()
      %scan3A_54 = arith.constant 0 : i32
      scf.yield %scan3A_54 : i32
    }
    %scan3A_15 = arith.constant 13 : i32
    %eq3A = arith.constant 15 : i32
    %eq3A_16 = arith.cmpi eq, %arg1, %eq3A : i32
    %convert_element_type3A = arith.extui %eq3A_16 : i1 to i32
    %cond3A = arith.constant 0 : i32
    %cond3A_17 = arith.cmpi ne, %convert_element_type3A, %cond3A : i32
    scf.if %cond3A_17 {
      "tpu.region"() ({
        %run_scoped3A = tpu.sem_alloc : memref<!tpu.dma_semaphore, #tpu.memory_space<semaphore_mem>>
        %dma_start3A_49 = arith.constant 0 : i32
        %dma_start3A_50 = arith.constant 0 : i32
        %dma_start3A_51 = tpu.memref_slice %arg11[%dma_start3A_49, %dma_start3A_50] : memref<48x128xf32, #tpu.memory_space<vmem>> -> memref<16x128xf32, #tpu.memory_space<vmem>>
        %dma_start3A_52 = arith.constant 9984 : i32
        %dma_start3A_53 = arith.constant 0 : i32
        %dma_start3A_54 = tpu.memref_slice %arg12[%dma_start3A_52, %dma_start3A_53] : memref<10000x128xf32, #tpu.memory_space<vmem_shared>> -> memref<16x128xf32, #tpu.memory_space<vmem_shared>>
        %dma_start3A_55 = arith.constant 9984 : i32
        %dma_start3A_56 = arith.constant 0 : i32
        %dma_start3A_57 = tpu.memref_slice %arg12[%dma_start3A_55, %dma_start3A_56] : memref<10000x128xf32, #tpu.memory_space<vmem_shared>> -> memref<16x128xf32, #tpu.memory_space<vmem_shared>>
        %dma_start3A_58 = arith.constant 0 : i32
        %dma_start3A_59 = arith.constant 0 : i32
        %dma_start3A_60 = tpu.memref_slice %arg11[%dma_start3A_58, %dma_start3A_59] : memref<48x128xf32, #tpu.memory_space<vmem>> -> memref<16x128xf32, #tpu.memory_space<vmem>>
        tpu.enqueue_dma source(%dma_start3A_60 : memref<16x128xf32, #tpu.memory_space<vmem>>) target(%dma_start3A_57 : memref<16x128xf32, #tpu.memory_space<vmem_shared>>) target_semaphore(%run_scoped3A : memref<!tpu.dma_semaphore, #tpu.memory_space<semaphore_mem>>)
        %dma_wait3A_61 = arith.constant 0 : i32
        %dma_wait3A_62 = arith.constant 0 : i32
        %dma_wait3A_63 = tpu.memref_slice %arg11[%dma_wait3A_61, %dma_wait3A_62] : memref<48x128xf32, #tpu.memory_space<vmem>> -> memref<16x128xf32, #tpu.memory_space<vmem>>
        %dma_wait3A_64 = arith.constant 9984 : i32
        %dma_wait3A_65 = arith.constant 0 : i32
        %dma_wait3A_66 = tpu.memref_slice %arg12[%dma_wait3A_64, %dma_wait3A_65] : memref<10000x128xf32, #tpu.memory_space<vmem_shared>> -> memref<16x128xf32, #tpu.memory_space<vmem_shared>>
        %dma_wait3A_67 = arith.constant 9984 : i32
        %dma_wait3A_68 = arith.constant 0 : i32
        %dma_wait3A_69 = tpu.memref_slice %arg12[%dma_wait3A_67, %dma_wait3A_68] : memref<10000x128xf32, #tpu.memory_space<vmem_shared>> -> memref<16x128xf32, #tpu.memory_space<vmem_shared>>
        %dma_wait3A_70 = arith.constant 0 : i32
        %dma_wait3A_71 = arith.constant 0 : i32
        %dma_wait3A_72 = tpu.memref_slice %arg11[%dma_wait3A_70, %dma_wait3A_71] : memref<48x128xf32, #tpu.memory_space<vmem>> -> memref<16x128xf32, #tpu.memory_space<vmem>>
        tpu.wait_dma2 semaphore(%run_scoped3A : memref<!tpu.dma_semaphore, #tpu.memory_space<semaphore_mem>>) src(%dma_wait3A_72 : memref<16x128xf32, #tpu.memory_space<vmem>>) dst(%dma_wait3A_69 : memref<16x128xf32, #tpu.memory_space<vmem_shared>>)
        tpu.yield
      }) : () -> ()
    } else {
    }
    %barrier3A = arith.constant 0 : index
    tpu.barrier barrier_id(%barrier3A)
    %mul3A_18 = arith.constant 10000 : i32
    %mul3A_19 = arith.muli %add3A, %mul3A_18 : i32
    "tpu.region"() ({
      %run_scoped3A = tpu.sem_alloc : memref<!tpu.dma_semaphore, #tpu.memory_space<semaphore_mem>>
      %dma_start3A_49 = tpu.memref_slice %arg3[%mul3A_19] : memref<320000xi32, #tpu.memory_space<hbm>> -> memref<10000xi32, #tpu.memory_space<hbm>>
      %dma_start3A_50 = tpu.memref_slice %arg3[%mul3A_19] : memref<320000xi32, #tpu.memory_space<hbm>> -> memref<10000xi32, #tpu.memory_space<hbm>>
      tpu.enqueue_dma source(%dma_start3A_50 : memref<10000xi32, #tpu.memory_space<hbm>>) target(%arg6 : memref<10000xi32, #tpu.memory_space<vmem>>) target_semaphore(%run_scoped3A : memref<!tpu.dma_semaphore, #tpu.memory_space<semaphore_mem>>)
      %dma_wait3A_51 = tpu.memref_slice %arg3[%mul3A_19] : memref<320000xi32, #tpu.memory_space<hbm>> -> memref<10000xi32, #tpu.memory_space<hbm>>
      %dma_wait3A_52 = tpu.memref_slice %arg3[%mul3A_19] : memref<320000xi32, #tpu.memory_space<hbm>> -> memref<10000xi32, #tpu.memory_space<hbm>>
      tpu.wait_dma2 semaphore(%run_scoped3A : memref<!tpu.dma_semaphore, #tpu.memory_space<semaphore_mem>>) src(%dma_wait3A_52 : memref<10000xi32, #tpu.memory_space<hbm>>) dst(%arg6 : memref<10000xi32, #tpu.memory_space<vmem>>)
      tpu.yield
    }) : () -> ()
    "tpu.region"() ({
      %run_scoped3A = tpu.sem_alloc : memref<!tpu.dma_semaphore, #tpu.memory_space<semaphore_mem>>
      %dma_start3A_49 = tpu.memref_slice %arg4[%mul3A_19] : memref<320000xi32, #tpu.memory_space<hbm>> -> memref<10000xi32, #tpu.memory_space<hbm>>
      %dma_start3A_50 = tpu.memref_slice %arg4[%mul3A_19] : memref<320000xi32, #tpu.memory_space<hbm>> -> memref<10000xi32, #tpu.memory_space<hbm>>
      tpu.enqueue_dma source(%dma_start3A_50 : memref<10000xi32, #tpu.memory_space<hbm>>) target(%arg7 : memref<10000xi32, #tpu.memory_space<vmem>>) target_semaphore(%run_scoped3A : memref<!tpu.dma_semaphore, #tpu.memory_space<semaphore_mem>>)
      %dma_wait3A_51 = tpu.memref_slice %arg4[%mul3A_19] : memref<320000xi32, #tpu.memory_space<hbm>> -> memref<10000xi32, #tpu.memory_space<hbm>>
      %dma_wait3A_52 = tpu.memref_slice %arg4[%mul3A_19] : memref<320000xi32, #tpu.memory_space<hbm>> -> memref<10000xi32, #tpu.memory_space<hbm>>
      tpu.wait_dma2 semaphore(%run_scoped3A : memref<!tpu.dma_semaphore, #tpu.memory_space<semaphore_mem>>) src(%dma_wait3A_52 : memref<10000xi32, #tpu.memory_space<hbm>>) dst(%arg7 : memref<10000xi32, #tpu.memory_space<vmem>>)
      tpu.yield
    }) : () -> ()
    %dma_start3A = arith.constant 0 : i32
    %dma_start3A_20 = tpu.memref_slice %arg6[%dma_start3A] : memref<10000xi32, #tpu.memory_space<vmem>> -> memref<80xi32, #tpu.memory_space<vmem>>
    %dma_start3A_21 = arith.constant 0 : i32
    %dma_start3A_22 = arith.constant 0 : i32
    %dma_start3A_23 = tpu.memref_slice %arg2[%dma_start3A_21, %dma_start3A_22] : memref<10000x128xf32, #tpu.memory_space<hbm>> -> memref<10000x128xf32, #tpu.memory_space<hbm>>
    tpu.enqueue_indirect_dma source(%dma_start3A_23 : memref<10000x128xf32, #tpu.memory_space<hbm>>) target(%arg9 : memref<80x128xf32, #tpu.memory_space<vmem>>) offsets(%dma_start3A_20 : memref<80xi32, #tpu.memory_space<vmem>>) semaphore(%arg13 : memref<!tpu.dma_semaphore, #tpu.memory_space<semaphore_mem>>)
    %scan3A_24 = arith.constant 0 : i32
    %scan3A_25 = arith.constant 0 : i32
    %scan3A_26 = arith.constant 62 : i32
    %scan3A_27 = arith.addi %scan3A_25, %scan3A_26 : i32
    %scan3A_28 = arith.constant 1 : i32
    %scan3A_29 = scf.for %scan3A_49 = %scan3A_25 to %scan3A_27 step %scan3A_28 iter_args(%scan3A_50 = %scan3A_24) -> (i32)  : i32 {
      %mul3A_51 = arith.constant 2 : i32
      %mul3A_52 = arith.muli %scan3A_49, %mul3A_51 : i32
      %add3A_53 = arith.constant 1 : i32
      %add3A_54 = arith.addi %mul3A_52, %add3A_53 : i32
      %mul3A_55 = arith.constant 80 : i32
      %mul3A_56 = arith.muli %add3A_54, %mul3A_55 : i32
      %dma_start3A_57 = tpu.memref_slice %arg6[%mul3A_56] : memref<10000xi32, #tpu.memory_space<vmem>> -> memref<80xi32, #tpu.memory_space<vmem>>
      %dma_start3A_58 = arith.constant 0 : i32
      %dma_start3A_59 = arith.constant 0 : i32
      %dma_start3A_60 = tpu.memref_slice %arg2[%dma_start3A_58, %dma_start3A_59] : memref<10000x128xf32, #tpu.memory_space<hbm>> -> memref<10000x128xf32, #tpu.memory_space<hbm>>
      tpu.enqueue_indirect_dma source(%dma_start3A_60 : memref<10000x128xf32, #tpu.memory_space<hbm>>) target(%arg10 : memref<80x128xf32, #tpu.memory_space<vmem>>) offsets(%dma_start3A_57 : memref<80xi32, #tpu.memory_space<vmem>>) semaphore(%arg14 : memref<!tpu.dma_semaphore, #tpu.memory_space<semaphore_mem>>)
      %dma_wait3A_61 = arith.constant 0 : i32
      %dma_wait3A_62 = arith.constant 0 : i32
      %dma_wait3A_63 = tpu.memref_slice %arg2[%dma_wait3A_61, %dma_wait3A_62] : memref<10000x128xf32, #tpu.memory_space<hbm>> -> memref<80x128xf32, #tpu.memory_space<hbm>>
      %dma_wait3A_64 = arith.constant 0 : i32
      %dma_wait3A_65 = arith.constant 0 : i32
      %dma_wait3A_66 = tpu.memref_slice %arg2[%dma_wait3A_64, %dma_wait3A_65] : memref<10000x128xf32, #tpu.memory_space<hbm>> -> memref<80x128xf32, #tpu.memory_space<hbm>>
      tpu.wait_dma2 semaphore(%arg13 : memref<!tpu.dma_semaphore, #tpu.memory_space<semaphore_mem>>) src(%dma_wait3A_66 : memref<80x128xf32, #tpu.memory_space<hbm>>) dst(%arg9 : memref<80x128xf32, #tpu.memory_space<vmem>>)
      %scan3A_67 = arith.constant 0 : i32
      %scan3A_68 = arith.constant 0 : i32
      %scan3A_69 = arith.constant 5 : i32
      %scan3A_70 = arith.addi %scan3A_68, %scan3A_69 : i32
      %scan3A_71 = arith.constant 1 : i32
      %scan3A_72 = scf.for %scan3A_98 = %scan3A_68 to %scan3A_70 step %scan3A_71 iter_args(%scan3A_99 = %scan3A_67) -> (i32)  : i32 {
        %mul3A_100 = arith.constant 80 : i32
        %mul3A_101 = arith.muli %mul3A_52, %mul3A_100 : i32
        %mul3A_102 = arith.constant 16 : i32
        %mul3A_103 = arith.muli %scan3A_98, %mul3A_102 : i32
        %add3A_104 = arith.addi %mul3A_101, %mul3A_103 : i32
        %get3A = arith.index_cast %add3A_104 : i32 to index
        %get3A_105 = tpu.vector_load %arg7[%get3A] {strides = array<i32>} : memref<10000xi32, #tpu.memory_space<vmem>>, vector<16xi32>,
        %get3A_106 = vector.shape_cast %get3A_105 : vector<16xi32> to vector<16xi32>
        %mul3A_107 = arith.constant 16 : i32
        %mul3A_108 = arith.muli %scan3A_98, %mul3A_107 : i32
        %swap3A = arith.index_cast %mul3A_108 : i32 to index
        %swap3A_109 = tpu.vector_load %arg8[%swap3A] {strides = array<i32>} : memref<80xi32, #tpu.memory_space<vmem>>, vector<16xi32>,
        %swap3A_110 = vector.shape_cast %swap3A_109 : vector<16xi32> to vector<16xi32>
        %swap3A_111 = vector.shape_cast %get3A_106 : vector<16xi32> to vector<16xi32>
        tpu.vector_store %arg8[%swap3A], %swap3A_111 {strides = array<i32>} : memref<80xi32, #tpu.memory_space<vmem>>, vector<16xi32>,
        %scan3A_112 = arith.constant 0 : i32
        scf.yield %scan3A_112 : i32
      }
      %scan3A_73 = arith.constant 5 : i32
      "tpu.region"() ({
        %run_scoped3A = tpu.sem_alloc : memref<!tpu.dma_semaphore, #tpu.memory_space<semaphore_mem>>
        %dma_start3A_98 = arith.constant 0 : i32
        %dma_start3A_99 = arith.constant 0 : i32
        %dma_start3A_100 = tpu.memref_slice %arg12[%dma_start3A_98, %dma_start3A_99] : memref<10000x128xf32, #tpu.memory_space<vmem_shared>> -> memref<10000x128xf32, #tpu.memory_space<vmem_shared>>
        tpu.enqueue_indirect_dma source(%arg9 : memref<80x128xf32, #tpu.memory_space<vmem>>) target(%dma_start3A_100 : memref<10000x128xf32, #tpu.memory_space<vmem_shared>>) offsets(%arg8 : memref<80xi32, #tpu.memory_space<vmem>>) semaphore(%run_scoped3A : memref<!tpu.dma_semaphore, #tpu.memory_space<semaphore_mem>>) {add = true}
        %dma_wait3A_101 = arith.constant 0 : i32
        %dma_wait3A_102 = arith.constant 0 : i32
        %dma_wait3A_103 = tpu.memref_slice %arg12[%dma_wait3A_101, %dma_wait3A_102] : memref<10000x128xf32, #tpu.memory_space<vmem_shared>> -> memref<10000x128xf32, #tpu.memory_space<vmem_shared>>
        tpu.wait_indirect_dma semaphore(%run_scoped3A : memref<!tpu.dma_semaphore, #tpu.memory_space<semaphore_mem>>) src(%arg9 : memref<80x128xf32, #tpu.memory_space<vmem>>) dst(%dma_wait3A_103 : memref<10000x128xf32, #tpu.memory_space<vmem_shared>>)
        tpu.yield
      }) : () -> ()
      %add3A_74 = arith.constant 1 : i32
      %add3A_75 = arith.addi %mul3A_52, %add3A_74 : i32
      %add3A_76 = arith.constant 1 : i32
      %add3A_77 = arith.addi %add3A_75, %add3A_76 : i32
      %mul3A_78 = arith.constant 80 : i32
      %mul3A_79 = arith.muli %add3A_77, %mul3A_78 : i32
      %dma_start3A_80 = tpu.memref_slice %arg6[%mul3A_79] : memref<10000xi32, #tpu.memory_space<vmem>> -> memref<80xi32, #tpu.memory_space<vmem>>
      %dma_start3A_81 = arith.constant 0 : i32
      %dma_start3A_82 = arith.constant 0 : i32
      %dma_start3A_83 = tpu.memref_slice %arg2[%dma_start3A_81, %dma_start3A_82] : memref<10000x128xf32, #tpu.memory_space<hbm>> -> memref<10000x128xf32, #tpu.memory_space<hbm>>
      tpu.enqueue_indirect_dma source(%dma_start3A_83 : memref<10000x128xf32, #tpu.memory_space<hbm>>) target(%arg9 : memref<80x128xf32, #tpu.memory_space<vmem>>) offsets(%dma_start3A_80 : memref<80xi32, #tpu.memory_space<vmem>>) semaphore(%arg13 : memref<!tpu.dma_semaphore, #tpu.memory_space<semaphore_mem>>)
      %dma_wait3A_84 = arith.constant 0 : i32
      %dma_wait3A_85 = arith.constant 0 : i32
      %dma_wait3A_86 = tpu.memref_slice %arg2[%dma_wait3A_84, %dma_wait3A_85] : memref<10000x128xf32, #tpu.memory_space<hbm>> -> memref<80x128xf32, #tpu.memory_space<hbm>>
      %dma_wait3A_87 = arith.constant 0 : i32
      %dma_wait3A_88 = arith.constant 0 : i32
      %dma_wait3A_89 = tpu.memref_slice %arg2[%dma_wait3A_87, %dma_wait3A_88] : memref<10000x128xf32, #tpu.memory_space<hbm>> -> memref<80x128xf32, #tpu.memory_space<hbm>>
      tpu.wait_dma2 semaphore(%arg14 : memref<!tpu.dma_semaphore, #tpu.memory_space<semaphore_mem>>) src(%dma_wait3A_89 : memref<80x128xf32, #tpu.memory_space<hbm>>) dst(%arg10 : memref<80x128xf32, #tpu.memory_space<vmem>>)
      %scan3A_90 = arith.constant 0 : i32
      %scan3A_91 = arith.constant 0 : i32
      %scan3A_92 = arith.constant 5 : i32
      %scan3A_93 = arith.addi %scan3A_91, %scan3A_92 : i32
      %scan3A_94 = arith.constant 1 : i32
      %scan3A_95 = scf.for %scan3A_98 = %scan3A_91 to %scan3A_93 step %scan3A_94 iter_args(%scan3A_99 = %scan3A_90) -> (i32)  : i32 {
        %mul3A_100 = arith.constant 80 : i32
        %mul3A_101 = arith.muli %add3A_75, %mul3A_100 : i32
        %mul3A_102 = arith.constant 16 : i32
        %mul3A_103 = arith.muli %scan3A_98, %mul3A_102 : i32
        %add3A_104 = arith.addi %mul3A_101, %mul3A_103 : i32
        %get3A = arith.index_cast %add3A_104 : i32 to index
        %get3A_105 = tpu.vector_load %arg7[%get3A] {strides = array<i32>} : memref<10000xi32, #tpu.memory_space<vmem>>, vector<16xi32>,
        %get3A_106 = vector.shape_cast %get3A_105 : vector<16xi32> to vector<16xi32>
        %mul3A_107 = arith.constant 16 : i32
        %mul3A_108 = arith.muli %scan3A_98, %mul3A_107 : i32
        %swap3A = arith.index_cast %mul3A_108 : i32 to index
        %swap3A_109 = tpu.vector_load %arg8[%swap3A] {strides = array<i32>} : memref<80xi32, #tpu.memory_space<vmem>>, vector<16xi32>,
        %swap3A_110 = vector.shape_cast %swap3A_109 : vector<16xi32> to vector<16xi32>
        %swap3A_111 = vector.shape_cast %get3A_106 : vector<16xi32> to vector<16xi32>
        tpu.vector_store %arg8[%swap3A], %swap3A_111 {strides = array<i32>} : memref<80xi32, #tpu.memory_space<vmem>>, vector<16xi32>,
        %scan3A_112 = arith.constant 0 : i32
        scf.yield %scan3A_112 : i32
      }
      %scan3A_96 = arith.constant 5 : i32
      "tpu.region"() ({
        %run_scoped3A = tpu.sem_alloc : memref<!tpu.dma_semaphore, #tpu.memory_space<semaphore_mem>>
        %dma_start3A_98 = arith.constant 0 : i32
        %dma_start3A_99 = arith.constant 0 : i32
        %dma_start3A_100 = tpu.memref_slice %arg12[%dma_start3A_98, %dma_start3A_99] : memref<10000x128xf32, #tpu.memory_space<vmem_shared>> -> memref<10000x128xf32, #tpu.memory_space<vmem_shared>>
        tpu.enqueue_indirect_dma source(%arg10 : memref<80x128xf32, #tpu.memory_space<vmem>>) target(%dma_start3A_100 : memref<10000x128xf32, #tpu.memory_space<vmem_shared>>) offsets(%arg8 : memref<80xi32, #tpu.memory_space<vmem>>) semaphore(%run_scoped3A : memref<!tpu.dma_semaphore, #tpu.memory_space<semaphore_mem>>) {add = true}
        %dma_wait3A_101 = arith.constant 0 : i32
        %dma_wait3A_102 = arith.constant 0 : i32
        %dma_wait3A_103 = tpu.memref_slice %arg12[%dma_wait3A_101, %dma_wait3A_102] : memref<10000x128xf32, #tpu.memory_space<vmem_shared>> -> memref<10000x128xf32, #tpu.memory_space<vmem_shared>>
        tpu.wait_indirect_dma semaphore(%run_scoped3A : memref<!tpu.dma_semaphore, #tpu.memory_space<semaphore_mem>>) src(%arg10 : memref<80x128xf32, #tpu.memory_space<vmem>>) dst(%dma_wait3A_103 : memref<10000x128xf32, #tpu.memory_space<vmem_shared>>)
        tpu.yield
      }) : () -> ()
      %scan3A_97 = arith.constant 0 : i32
      scf.yield %scan3A_97 : i32
    }
    %scan3A_30 = arith.constant 62 : i32
    %dma_wait3A = arith.constant 0 : i32
    %dma_wait3A_31 = arith.constant 0 : i32
    %dma_wait3A_32 = tpu.memref_slice %arg2[%dma_wait3A, %dma_wait3A_31] : memref<10000x128xf32, #tpu.memory_space<hbm>> -> memref<80x128xf32, #tpu.memory_space<hbm>>
    %dma_wait3A_33 = arith.constant 0 : i32
    %dma_wait3A_34 = arith.constant 0 : i32
    %dma_wait3A_35 = tpu.memref_slice %arg2[%dma_wait3A_33, %dma_wait3A_34] : memref<10000x128xf32, #tpu.memory_space<hbm>> -> memref<80x128xf32, #tpu.memory_space<hbm>>
    tpu.wait_dma2 semaphore(%arg13 : memref<!tpu.dma_semaphore, #tpu.memory_space<semaphore_mem>>) src(%dma_wait3A_35 : memref<80x128xf32, #tpu.memory_space<hbm>>) dst(%arg9 : memref<80x128xf32, #tpu.memory_space<vmem>>)
    %scan3A_36 = arith.constant 0 : i32
    %scan3A_37 = arith.constant 0 : i32
    %scan3A_38 = arith.constant 5 : i32
    %scan3A_39 = arith.addi %scan3A_37, %scan3A_38 : i32
    %scan3A_40 = arith.constant 1 : i32
    %scan3A_41 = scf.for %scan3A_49 = %scan3A_37 to %scan3A_39 step %scan3A_40 iter_args(%scan3A_50 = %scan3A_36) -> (i32)  : i32 {
      %mul3A_51 = arith.constant 16 : i32
      %mul3A_52 = arith.muli %scan3A_49, %mul3A_51 : i32
      %add3A_53 = arith.constant 9920 : i32
      %add3A_54 = arith.addi %add3A_53, %mul3A_52 : i32
      %get3A = arith.index_cast %add3A_54 : i32 to index
      %get3A_55 = tpu.vector_load %arg7[%get3A] {strides = array<i32>} : memref<10000xi32, #tpu.memory_space<vmem>>, vector<16xi32>,
      %get3A_56 = vector.shape_cast %get3A_55 : vector<16xi32> to vector<16xi32>
      %mul3A_57 = arith.constant 16 : i32
      %mul3A_58 = arith.muli %scan3A_49, %mul3A_57 : i32
      %swap3A = arith.index_cast %mul3A_58 : i32 to index
      %swap3A_59 = tpu.vector_load %arg8[%swap3A] {strides = array<i32>} : memref<80xi32, #tpu.memory_space<vmem>>, vector<16xi32>,
      %swap3A_60 = vector.shape_cast %swap3A_59 : vector<16xi32> to vector<16xi32>
      %swap3A_61 = vector.shape_cast %get3A_56 : vector<16xi32> to vector<16xi32>
      tpu.vector_store %arg8[%swap3A], %swap3A_61 {strides = array<i32>} : memref<80xi32, #tpu.memory_space<vmem>>, vector<16xi32>,
      %scan3A_62 = arith.constant 0 : i32
      scf.yield %scan3A_62 : i32
    }
    %scan3A_42 = arith.constant 5 : i32
    "tpu.region"() ({
      %run_scoped3A = tpu.sem_alloc : memref<!tpu.dma_semaphore, #tpu.memory_space<semaphore_mem>>
      %dma_start3A_49 = arith.constant 0 : i32
      %dma_start3A_50 = arith.constant 0 : i32
      %dma_start3A_51 = tpu.memref_slice %arg12[%dma_start3A_49, %dma_start3A_50] : memref<10000x128xf32, #tpu.memory_space<vmem_shared>> -> memref<10000x128xf32, #tpu.memory_space<vmem_shared>>
      tpu.enqueue_indirect_dma source(%arg9 : memref<80x128xf32, #tpu.memory_space<vmem>>) target(%dma_start3A_51 : memref<10000x128xf32, #tpu.memory_space<vmem_shared>>) offsets(%arg8 : memref<80xi32, #tpu.memory_space<vmem>>) semaphore(%run_scoped3A : memref<!tpu.dma_semaphore, #tpu.memory_space<semaphore_mem>>) {add = true}
      %dma_wait3A_52 = arith.constant 0 : i32
      %dma_wait3A_53 = arith.constant 0 : i32
      %dma_wait3A_54 = tpu.memref_slice %arg12[%dma_wait3A_52, %dma_wait3A_53] : memref<10000x128xf32, #tpu.memory_space<vmem_shared>> -> memref<10000x128xf32, #tpu.memory_space<vmem_shared>>
      tpu.wait_indirect_dma semaphore(%run_scoped3A : memref<!tpu.dma_semaphore, #tpu.memory_space<semaphore_mem>>) src(%arg9 : memref<80x128xf32, #tpu.memory_space<vmem>>) dst(%dma_wait3A_54 : memref<10000x128xf32, #tpu.memory_space<vmem_shared>>)
      tpu.yield
    }) : () -> ()
    %barrier3A_43 = arith.constant 0 : index
    tpu.barrier barrier_id(%barrier3A_43)
    "tpu.region"() ({
      %run_scoped3A = tpu.sem_alloc : memref<!tpu.dma_semaphore, #tpu.memory_space<semaphore_mem>>
      %dma_start3A_49 = arith.constant 0 : i32
      %dma_start3A_50 = tpu.memref_slice %arg5[%arg0, %mul3A_8, %dma_start3A_49] : memref<2x10000x128xf32, #tpu.memory_space<hbm>> -> memref<1x624x128xf32, #tpu.memory_space<hbm>>
      %dma_start3A_51 = tpu.memref_squeeze %dma_start3A_50 : memref<1x624x128xf32, #tpu.memory_space<hbm>> -> memref<624x128xf32, #tpu.memory_space<hbm>>
      %dma_start3A_52 = arith.constant 0 : i32
      %dma_start3A_53 = tpu.memref_slice %arg12[%mul3A_8, %dma_start3A_52] : memref<10000x128xf32, #tpu.memory_space<vmem_shared>> -> memref<624x128xf32, #tpu.memory_space<vmem_shared>>
      tpu.enqueue_dma source(%dma_start3A_53 : memref<624x128xf32, #tpu.memory_space<vmem_shared>>) target(%dma_start3A_51 : memref<624x128xf32, #tpu.memory_space<hbm>>) target_semaphore(%run_scoped3A : memref<!tpu.dma_semaphore, #tpu.memory_space<semaphore_mem>>)
      %dma_wait3A_54 = arith.constant 0 : i32
      %dma_wait3A_55 = tpu.memref_slice %arg5[%arg0, %mul3A_8, %dma_wait3A_54] : memref<2x10000x128xf32, #tpu.memory_space<hbm>> -> memref<1x624x128xf32, #tpu.memory_space<hbm>>
      %dma_wait3A_56 = tpu.memref_squeeze %dma_wait3A_55 : memref<1x624x128xf32, #tpu.memory_space<hbm>> -> memref<624x128xf32, #tpu.memory_space<hbm>>
      %dma_wait3A_57 = arith.constant 0 : i32
      %dma_wait3A_58 = tpu.memref_slice %arg12[%mul3A_8, %dma_wait3A_57] : memref<10000x128xf32, #tpu.memory_space<vmem_shared>> -> memref<624x128xf32, #tpu.memory_space<vmem_shared>>
      tpu.wait_dma2 semaphore(%run_scoped3A : memref<!tpu.dma_semaphore, #tpu.memory_space<semaphore_mem>>) src(%dma_wait3A_58 : memref<624x128xf32, #tpu.memory_space<vmem_shared>>) dst(%dma_wait3A_56 : memref<624x128xf32, #tpu.memory_space<hbm>>)
      tpu.yield
    }) : () -> ()
    %eq3A_44 = arith.constant 15 : i32
    %eq3A_45 = arith.cmpi eq, %arg1, %eq3A_44 : i32
    %convert_element_type3A_46 = arith.extui %eq3A_45 : i1 to i32
    %cond3A_47 = arith.constant 0 : i32
    %cond3A_48 = arith.cmpi ne, %convert_element_type3A_46, %cond3A_47 : i32
    scf.if %cond3A_48 {
      "tpu.region"() ({
        %run_scoped3A = tpu.sem_alloc : memref<!tpu.dma_semaphore, #tpu.memory_space<semaphore_mem>>
        %dma_start3A_49 = arith.constant 9984 : i32
        %dma_start3A_50 = arith.constant 0 : i32
        %dma_start3A_51 = tpu.memref_slice %arg5[%arg0, %dma_start3A_49, %dma_start3A_50] : memref<2x10000x128xf32, #tpu.memory_space<hbm>> -> memref<1x16x128xf32, #tpu.memory_space<hbm>>
        %dma_start3A_52 = tpu.memref_squeeze %dma_start3A_51 : memref<1x16x128xf32, #tpu.memory_space<hbm>> -> memref<16x128xf32, #tpu.memory_space<hbm>>
        %dma_start3A_53 = arith.constant 9984 : i32
        %dma_start3A_54 = arith.constant 0 : i32
        %dma_start3A_55 = tpu.memref_slice %arg12[%dma_start3A_53, %dma_start3A_54] : memref<10000x128xf32, #tpu.memory_space<vmem_shared>> -> memref<16x128xf32, #tpu.memory_space<vmem_shared>>
        tpu.enqueue_dma source(%dma_start3A_55 : memref<16x128xf32, #tpu.memory_space<vmem_shared>>) target(%dma_start3A_52 : memref<16x128xf32, #tpu.memory_space<hbm>>) target_semaphore(%run_scoped3A : memref<!tpu.dma_semaphore, #tpu.memory_space<semaphore_mem>>)
        %dma_wait3A_56 = arith.constant 9984 : i32
        %dma_wait3A_57 = arith.constant 0 : i32
        %dma_wait3A_58 = tpu.memref_slice %arg5[%arg0, %dma_wait3A_56, %dma_wait3A_57] : memref<2x10000x128xf32, #tpu.memory_space<hbm>> -> memref<1x16x128xf32, #tpu.memory_space<hbm>>
        %dma_wait3A_59 = tpu.memref_squeeze %dma_wait3A_58 : memref<1x16x128xf32, #tpu.memory_space<hbm>> -> memref<16x128xf32, #tpu.memory_space<hbm>>
        %dma_wait3A_60 = arith.constant 9984 : i32
        %dma_wait3A_61 = arith.constant 0 : i32
        %dma_wait3A_62 = tpu.memref_slice %arg12[%dma_wait3A_60, %dma_wait3A_61] : memref<10000x128xf32, #tpu.memory_space<vmem_shared>> -> memref<16x128xf32, #tpu.memory_space<vmem_shared>>
        tpu.wait_dma2 semaphore(%run_scoped3A : memref<!tpu.dma_semaphore, #tpu.memory_space<semaphore_mem>>) src(%dma_wait3A_62 : memref<16x128xf32, #tpu.memory_space<vmem_shared>>) dst(%dma_wait3A_59 : memref<16x128xf32, #tpu.memory_space<hbm>>)
        tpu.yield
      }) : () -> ()
    } else {
    }
    return
  }
}

#map = affine_map<(d0, d1) -> (0, 0)>
#map1 = affine_map<(d0, d1) -> (0)>
#map2 = affine_map<(d0, d1) -> (0, 0, 0)>
module attributes {stable_mosaic.version = 14 : i64} {
  func.func @spmm(%arg0: i32, %arg1: i32, %arg2: memref<10000x64xf32, #tpu.memory_space<hbm>>, %arg3: memref<320000xi32, #tpu.memory_space<hbm>>, %arg4: memref<320000xi32, #tpu.memory_space<hbm>>, %arg5: memref<2x10000x64xf32, #tpu.memory_space<hbm>>, %arg6: memref<10000xi32, #tpu.memory_space<vmem>>, %arg7: memref<10000xi32, #tpu.memory_space<vmem>>, %arg8: memref<80xi32, #tpu.memory_space<vmem>>, %arg9: memref<80x64xf32, #tpu.memory_space<vmem>>, %arg10: memref<80x64xf32, #tpu.memory_space<vmem>>, %arg11: memref<48x64xf32, #tpu.memory_space<vmem>>, %arg12: memref<10000x64xf32, #tpu.memory_space<vmem_shared>>, %arg13: memref<!tpu.dma_semaphore, #tpu.memory_space<semaphore_mem>>, %arg14: memref<!tpu.dma_semaphore, #tpu.memory_space<semaphore_mem>>) attributes {dimension_semantics = [#tpu.dimension_semantics<core_parallel>, #tpu.dimension_semantics<subcore_parallel>], iteration_bounds = array<i64: 2, 16>, scalar_prefetch = 0 : i64, scratch_operands = 9 : i64, tpu.core_type = #tpu.core_type<sc_vector_subcore>, window_params = [{transform_indices = #map}, {transform_indices = #map1}, {transform_indices = #map1}, {transform_indices = #map2}]} {
    %mul3A = arith.constant 16 : i32
    %mul3A_0 = arith.muli %arg0, %mul3A : i32
    %add3A = arith.addi %mul3A_0, %arg1 : i32
    %scan3A = arith.constant 0 : i32
    %scan3A_1 = arith.constant 0 : i32
    %scan3A_2 = arith.constant 48 : i32
    %scan3A_3 = arith.addi %scan3A_1, %scan3A_2 : i32
    %scan3A_4 = arith.constant 1 : i32
    %scan3A_5 = scf.for %scan3A_49 = %scan3A_1 to %scan3A_3 step %scan3A_4 iter_args(%scan3A_50 = %scan3A) -> (i32)  : i32 {
      %scan3A_51 = arith.constant 0 : i32
      %scan3A_52 = arith.constant 0 : i32
      %scan3A_53 = arith.constant 4 : i32
      %scan3A_54 = arith.addi %scan3A_52, %scan3A_53 : i32
      %scan3A_55 = arith.constant 1 : i32
      %scan3A_56 = scf.for %scan3A_59 = %scan3A_52 to %scan3A_54 step %scan3A_55 iter_args(%scan3A_60 = %scan3A_51) -> (i32)  : i32 {
        %broadcast_in_dim3A = arith.constant 0.000000e+00 : f32
        %broadcast_in_dim3A_61 = vector.broadcast %broadcast_in_dim3A : f32 to vector<16xf32>
        %mul3A_62 = arith.constant 16 : i32
        %mul3A_63 = arith.muli %scan3A_59, %mul3A_62 : i32
        %swap3A = arith.index_cast %scan3A_49 : i32 to index
        %swap3A_64 = arith.index_cast %mul3A_63 : i32 to index
        %swap3A_65 = tpu.vector_load %arg11[%swap3A, %swap3A_64] {strides = array<i32>} : memref<48x64xf32, #tpu.memory_space<vmem>>, vector<1x16xf32>,
        %swap3A_66 = vector.shape_cast %swap3A_65 : vector<1x16xf32> to vector<16xf32>
        %swap3A_67 = vector.shape_cast %broadcast_in_dim3A_61 : vector<16xf32> to vector<1x16xf32>
        tpu.vector_store %arg11[%swap3A, %swap3A_64], %swap3A_67 {strides = array<i32>} : memref<48x64xf32, #tpu.memory_space<vmem>>, vector<1x16xf32>,
        %scan3A_68 = arith.constant 0 : i32
        scf.yield %scan3A_68 : i32
      }
      %scan3A_57 = arith.constant 4 : i32
      %scan3A_58 = arith.constant 0 : i32
      scf.yield %scan3A_58 : i32
    }
    %scan3A_6 = arith.constant 48 : i32
    %mul3A_7 = arith.constant 624 : i32
    %mul3A_8 = arith.muli %arg1, %mul3A_7 : i32
    %scan3A_9 = arith.constant 0 : i32
    %scan3A_10 = arith.constant 0 : i32
    %scan3A_11 = arith.constant 13 : i32
    %scan3A_12 = arith.addi %scan3A_10, %scan3A_11 : i32
    %scan3A_13 = arith.constant 1 : i32
    %scan3A_14 = scf.for %scan3A_49 = %scan3A_10 to %scan3A_12 step %scan3A_13 iter_args(%scan3A_50 = %scan3A_9) -> (i32)  : i32 {
      %mul3A_51 = arith.constant 48 : i32
      %mul3A_52 = arith.muli %scan3A_49, %mul3A_51 : i32
      %add3A_53 = arith.addi %mul3A_8, %mul3A_52 : i32
      "tpu.region"() ({
        %run_scoped3A = tpu.sem_alloc : memref<!tpu.dma_semaphore, #tpu.memory_space<semaphore_mem>>
        %dma_start3A_55 = arith.constant 0 : i32
        %dma_start3A_56 = tpu.memref_slice %arg12[%add3A_53, %dma_start3A_55] : memref<10000x64xf32, #tpu.memory_space<vmem_shared>> -> memref<48x64xf32, #tpu.memory_space<vmem_shared>>
        %dma_start3A_57 = arith.constant 0 : i32
        %dma_start3A_58 = tpu.memref_slice %arg12[%add3A_53, %dma_start3A_57] : memref<10000x64xf32, #tpu.memory_space<vmem_shared>> -> memref<48x64xf32, #tpu.memory_space<vmem_shared>>
        tpu.enqueue_dma source(%arg11 : memref<48x64xf32, #tpu.memory_space<vmem>>) target(%dma_start3A_58 : memref<48x64xf32, #tpu.memory_space<vmem_shared>>) target_semaphore(%run_scoped3A : memref<!tpu.dma_semaphore, #tpu.memory_space<semaphore_mem>>)
        %dma_wait3A_59 = arith.constant 0 : i32
        %dma_wait3A_60 = tpu.memref_slice %arg12[%add3A_53, %dma_wait3A_59] : memref<10000x64xf32, #tpu.memory_space<vmem_shared>> -> memref<48x64xf32, #tpu.memory_space<vmem_shared>>
        %dma_wait3A_61 = arith.constant 0 : i32
        %dma_wait3A_62 = tpu.memref_slice %arg12[%add3A_53, %dma_wait3A_61] : memref<10000x64xf32, #tpu.memory_space<vmem_shared>> -> memref<48x64xf32, #tpu.memory_space<vmem_shared>>
        tpu.wait_dma2 semaphore(%run_scoped3A : memref<!tpu.dma_semaphore, #tpu.memory_space<semaphore_mem>>) src(%arg11 : memref<48x64xf32, #tpu.memory_space<vmem>>) dst(%dma_wait3A_62 : memref<48x64xf32, #tpu.memory_space<vmem_shared>>)
        tpu.yield
      }) : () -> ()
      %scan3A_54 = arith.constant 0 : i32
      scf.yield %scan3A_54 : i32
    }
    %scan3A_15 = arith.constant 13 : i32
    %eq3A = arith.constant 15 : i32
    %eq3A_16 = arith.cmpi eq, %arg1, %eq3A : i32
    %convert_element_type3A = arith.extui %eq3A_16 : i1 to i32
    %cond3A = arith.constant 0 : i32
    %cond3A_17 = arith.cmpi ne, %convert_element_type3A, %cond3A : i32
    scf.if %cond3A_17 {
      "tpu.region"() ({
        %run_scoped3A = tpu.sem_alloc : memref<!tpu.dma_semaphore, #tpu.memory_space<semaphore_mem>>
        %dma_start3A_49 = arith.constant 0 : i32
        %dma_start3A_50 = arith.constant 0 : i32
        %dma_start3A_51 = tpu.memref_slice %arg11[%dma_start3A_49, %dma_start3A_50] : memref<48x64xf32, #tpu.memory_space<vmem>> -> memref<16x64xf32, #tpu.memory_space<vmem>>
        %dma_start3A_52 = arith.constant 9984 : i32
        %dma_start3A_53 = arith.constant 0 : i32
        %dma_start3A_54 = tpu.memref_slice %arg12[%dma_start3A_52, %dma_start3A_53] : memref<10000x64xf32, #tpu.memory_space<vmem_shared>> -> memref<16x64xf32, #tpu.memory_space<vmem_shared>>
        %dma_start3A_55 = arith.constant 9984 : i32
        %dma_start3A_56 = arith.constant 0 : i32
        %dma_start3A_57 = tpu.memref_slice %arg12[%dma_start3A_55, %dma_start3A_56] : memref<10000x64xf32, #tpu.memory_space<vmem_shared>> -> memref<16x64xf32, #tpu.memory_space<vmem_shared>>
        %dma_start3A_58 = arith.constant 0 : i32
        %dma_start3A_59 = arith.constant 0 : i32
        %dma_start3A_60 = tpu.memref_slice %arg11[%dma_start3A_58, %dma_start3A_59] : memref<48x64xf32, #tpu.memory_space<vmem>> -> memref<16x64xf32, #tpu.memory_space<vmem>>
        tpu.enqueue_dma source(%dma_start3A_60 : memref<16x64xf32, #tpu.memory_space<vmem>>) target(%dma_start3A_57 : memref<16x64xf32, #tpu.memory_space<vmem_shared>>) target_semaphore(%run_scoped3A : memref<!tpu.dma_semaphore, #tpu.memory_space<semaphore_mem>>)
        %dma_wait3A_61 = arith.constant 0 : i32
        %dma_wait3A_62 = arith.constant 0 : i32
        %dma_wait3A_63 = tpu.memref_slice %arg11[%dma_wait3A_61, %dma_wait3A_62] : memref<48x64xf32, #tpu.memory_space<vmem>> -> memref<16x64xf32, #tpu.memory_space<vmem>>
        %dma_wait3A_64 = arith.constant 9984 : i32
        %dma_wait3A_65 = arith.constant 0 : i32
        %dma_wait3A_66 = tpu.memref_slice %arg12[%dma_wait3A_64, %dma_wait3A_65] : memref<10000x64xf32, #tpu.memory_space<vmem_shared>> -> memref<16x64xf32, #tpu.memory_space<vmem_shared>>
        %dma_wait3A_67 = arith.constant 9984 : i32
        %dma_wait3A_68 = arith.constant 0 : i32
        %dma_wait3A_69 = tpu.memref_slice %arg12[%dma_wait3A_67, %dma_wait3A_68] : memref<10000x64xf32, #tpu.memory_space<vmem_shared>> -> memref<16x64xf32, #tpu.memory_space<vmem_shared>>
        %dma_wait3A_70 = arith.constant 0 : i32
        %dma_wait3A_71 = arith.constant 0 : i32
        %dma_wait3A_72 = tpu.memref_slice %arg11[%dma_wait3A_70, %dma_wait3A_71] : memref<48x64xf32, #tpu.memory_space<vmem>> -> memref<16x64xf32, #tpu.memory_space<vmem>>
        tpu.wait_dma2 semaphore(%run_scoped3A : memref<!tpu.dma_semaphore, #tpu.memory_space<semaphore_mem>>) src(%dma_wait3A_72 : memref<16x64xf32, #tpu.memory_space<vmem>>) dst(%dma_wait3A_69 : memref<16x64xf32, #tpu.memory_space<vmem_shared>>)
        tpu.yield
      }) : () -> ()
    } else {
    }
    %barrier3A = arith.constant 0 : index
    tpu.barrier barrier_id(%barrier3A)
    %mul3A_18 = arith.constant 10000 : i32
    %mul3A_19 = arith.muli %add3A, %mul3A_18 : i32
    "tpu.region"() ({
      %run_scoped3A = tpu.sem_alloc : memref<!tpu.dma_semaphore, #tpu.memory_space<semaphore_mem>>
      %dma_start3A_49 = tpu.memref_slice %arg3[%mul3A_19] : memref<320000xi32, #tpu.memory_space<hbm>> -> memref<10000xi32, #tpu.memory_space<hbm>>
      %dma_start3A_50 = tpu.memref_slice %arg3[%mul3A_19] : memref<320000xi32, #tpu.memory_space<hbm>> -> memref<10000xi32, #tpu.memory_space<hbm>>
      tpu.enqueue_dma source(%dma_start3A_50 : memref<10000xi32, #tpu.memory_space<hbm>>) target(%arg6 : memref<10000xi32, #tpu.memory_space<vmem>>) target_semaphore(%run_scoped3A : memref<!tpu.dma_semaphore, #tpu.memory_space<semaphore_mem>>)
      %dma_wait3A_51 = tpu.memref_slice %arg3[%mul3A_19] : memref<320000xi32, #tpu.memory_space<hbm>> -> memref<10000xi32, #tpu.memory_space<hbm>>
      %dma_wait3A_52 = tpu.memref_slice %arg3[%mul3A_19] : memref<320000xi32, #tpu.memory_space<hbm>> -> memref<10000xi32, #tpu.memory_space<hbm>>
      tpu.wait_dma2 semaphore(%run_scoped3A : memref<!tpu.dma_semaphore, #tpu.memory_space<semaphore_mem>>) src(%dma_wait3A_52 : memref<10000xi32, #tpu.memory_space<hbm>>) dst(%arg6 : memref<10000xi32, #tpu.memory_space<vmem>>)
      tpu.yield
    }) : () -> ()
    "tpu.region"() ({
      %run_scoped3A = tpu.sem_alloc : memref<!tpu.dma_semaphore, #tpu.memory_space<semaphore_mem>>
      %dma_start3A_49 = tpu.memref_slice %arg4[%mul3A_19] : memref<320000xi32, #tpu.memory_space<hbm>> -> memref<10000xi32, #tpu.memory_space<hbm>>
      %dma_start3A_50 = tpu.memref_slice %arg4[%mul3A_19] : memref<320000xi32, #tpu.memory_space<hbm>> -> memref<10000xi32, #tpu.memory_space<hbm>>
      tpu.enqueue_dma source(%dma_start3A_50 : memref<10000xi32, #tpu.memory_space<hbm>>) target(%arg7 : memref<10000xi32, #tpu.memory_space<vmem>>) target_semaphore(%run_scoped3A : memref<!tpu.dma_semaphore, #tpu.memory_space<semaphore_mem>>)
      %dma_wait3A_51 = tpu.memref_slice %arg4[%mul3A_19] : memref<320000xi32, #tpu.memory_space<hbm>> -> memref<10000xi32, #tpu.memory_space<hbm>>
      %dma_wait3A_52 = tpu.memref_slice %arg4[%mul3A_19] : memref<320000xi32, #tpu.memory_space<hbm>> -> memref<10000xi32, #tpu.memory_space<hbm>>
      tpu.wait_dma2 semaphore(%run_scoped3A : memref<!tpu.dma_semaphore, #tpu.memory_space<semaphore_mem>>) src(%dma_wait3A_52 : memref<10000xi32, #tpu.memory_space<hbm>>) dst(%arg7 : memref<10000xi32, #tpu.memory_space<vmem>>)
      tpu.yield
    }) : () -> ()
    %dma_start3A = arith.constant 0 : i32
    %dma_start3A_20 = tpu.memref_slice %arg6[%dma_start3A] : memref<10000xi32, #tpu.memory_space<vmem>> -> memref<80xi32, #tpu.memory_space<vmem>>
    %dma_start3A_21 = arith.constant 0 : i32
    %dma_start3A_22 = arith.constant 0 : i32
    %dma_start3A_23 = tpu.memref_slice %arg2[%dma_start3A_21, %dma_start3A_22] : memref<10000x64xf32, #tpu.memory_space<hbm>> -> memref<10000x64xf32, #tpu.memory_space<hbm>>
    tpu.enqueue_indirect_dma source(%dma_start3A_23 : memref<10000x64xf32, #tpu.memory_space<hbm>>) target(%arg9 : memref<80x64xf32, #tpu.memory_space<vmem>>) offsets(%dma_start3A_20 : memref<80xi32, #tpu.memory_space<vmem>>) semaphore(%arg13 : memref<!tpu.dma_semaphore, #tpu.memory_space<semaphore_mem>>)
    %scan3A_24 = arith.constant 0 : i32
    %scan3A_25 = arith.constant 0 : i32
    %scan3A_26 = arith.constant 62 : i32
    %scan3A_27 = arith.addi %scan3A_25, %scan3A_26 : i32
    %scan3A_28 = arith.constant 1 : i32
    %scan3A_29 = scf.for %scan3A_49 = %scan3A_25 to %scan3A_27 step %scan3A_28 iter_args(%scan3A_50 = %scan3A_24) -> (i32)  : i32 {
      %mul3A_51 = arith.constant 2 : i32
      %mul3A_52 = arith.muli %scan3A_49, %mul3A_51 : i32
      %add3A_53 = arith.constant 1 : i32
      %add3A_54 = arith.addi %mul3A_52, %add3A_53 : i32
      %mul3A_55 = arith.constant 80 : i32
      %mul3A_56 = arith.muli %add3A_54, %mul3A_55 : i32
      %dma_start3A_57 = tpu.memref_slice %arg6[%mul3A_56] : memref<10000xi32, #tpu.memory_space<vmem>> -> memref<80xi32, #tpu.memory_space<vmem>>
      %dma_start3A_58 = arith.constant 0 : i32
      %dma_start3A_59 = arith.constant 0 : i32
      %dma_start3A_60 = tpu.memref_slice %arg2[%dma_start3A_58, %dma_start3A_59] : memref<10000x64xf32, #tpu.memory_space<hbm>> -> memref<10000x64xf32, #tpu.memory_space<hbm>>
      tpu.enqueue_indirect_dma source(%dma_start3A_60 : memref<10000x64xf32, #tpu.memory_space<hbm>>) target(%arg10 : memref<80x64xf32, #tpu.memory_space<vmem>>) offsets(%dma_start3A_57 : memref<80xi32, #tpu.memory_space<vmem>>) semaphore(%arg14 : memref<!tpu.dma_semaphore, #tpu.memory_space<semaphore_mem>>)
      %dma_wait3A_61 = arith.constant 0 : i32
      %dma_wait3A_62 = arith.constant 0 : i32
      %dma_wait3A_63 = tpu.memref_slice %arg2[%dma_wait3A_61, %dma_wait3A_62] : memref<10000x64xf32, #tpu.memory_space<hbm>> -> memref<80x64xf32, #tpu.memory_space<hbm>>
      %dma_wait3A_64 = arith.constant 0 : i32
      %dma_wait3A_65 = arith.constant 0 : i32
      %dma_wait3A_66 = tpu.memref_slice %arg2[%dma_wait3A_64, %dma_wait3A_65] : memref<10000x64xf32, #tpu.memory_space<hbm>> -> memref<80x64xf32, #tpu.memory_space<hbm>>
      tpu.wait_dma2 semaphore(%arg13 : memref<!tpu.dma_semaphore, #tpu.memory_space<semaphore_mem>>) src(%dma_wait3A_66 : memref<80x64xf32, #tpu.memory_space<hbm>>) dst(%arg9 : memref<80x64xf32, #tpu.memory_space<vmem>>)
      %scan3A_67 = arith.constant 0 : i32
      %scan3A_68 = arith.constant 0 : i32
      %scan3A_69 = arith.constant 5 : i32
      %scan3A_70 = arith.addi %scan3A_68, %scan3A_69 : i32
      %scan3A_71 = arith.constant 1 : i32
      %scan3A_72 = scf.for %scan3A_98 = %scan3A_68 to %scan3A_70 step %scan3A_71 iter_args(%scan3A_99 = %scan3A_67) -> (i32)  : i32 {
        %mul3A_100 = arith.constant 80 : i32
        %mul3A_101 = arith.muli %mul3A_52, %mul3A_100 : i32
        %mul3A_102 = arith.constant 16 : i32
        %mul3A_103 = arith.muli %scan3A_98, %mul3A_102 : i32
        %add3A_104 = arith.addi %mul3A_101, %mul3A_103 : i32
        %get3A = arith.index_cast %add3A_104 : i32 to index
        %get3A_105 = tpu.vector_load %arg7[%get3A] {strides = array<i32>} : memref<10000xi32, #tpu.memory_space<vmem>>, vector<16xi32>,
        %get3A_106 = vector.shape_cast %get3A_105 : vector<16xi32> to vector<16xi32>
        %mul3A_107 = arith.constant 16 : i32
        %mul3A_108 = arith.muli %scan3A_98, %mul3A_107 : i32
        %swap3A = arith.index_cast %mul3A_108 : i32 to index
        %swap3A_109 = tpu.vector_load %arg8[%swap3A] {strides = array<i32>} : memref<80xi32, #tpu.memory_space<vmem>>, vector<16xi32>,
        %swap3A_110 = vector.shape_cast %swap3A_109 : vector<16xi32> to vector<16xi32>
        %swap3A_111 = vector.shape_cast %get3A_106 : vector<16xi32> to vector<16xi32>
        tpu.vector_store %arg8[%swap3A], %swap3A_111 {strides = array<i32>} : memref<80xi32, #tpu.memory_space<vmem>>, vector<16xi32>,
        %scan3A_112 = arith.constant 0 : i32
        scf.yield %scan3A_112 : i32
      }
      %scan3A_73 = arith.constant 5 : i32
      "tpu.region"() ({
        %run_scoped3A = tpu.sem_alloc : memref<!tpu.dma_semaphore, #tpu.memory_space<semaphore_mem>>
        %dma_start3A_98 = arith.constant 0 : i32
        %dma_start3A_99 = arith.constant 0 : i32
        %dma_start3A_100 = tpu.memref_slice %arg12[%dma_start3A_98, %dma_start3A_99] : memref<10000x64xf32, #tpu.memory_space<vmem_shared>> -> memref<10000x64xf32, #tpu.memory_space<vmem_shared>>
        tpu.enqueue_indirect_dma source(%arg9 : memref<80x64xf32, #tpu.memory_space<vmem>>) target(%dma_start3A_100 : memref<10000x64xf32, #tpu.memory_space<vmem_shared>>) offsets(%arg8 : memref<80xi32, #tpu.memory_space<vmem>>) semaphore(%run_scoped3A : memref<!tpu.dma_semaphore, #tpu.memory_space<semaphore_mem>>) {add = true}
        %dma_wait3A_101 = arith.constant 0 : i32
        %dma_wait3A_102 = arith.constant 0 : i32
        %dma_wait3A_103 = tpu.memref_slice %arg12[%dma_wait3A_101, %dma_wait3A_102] : memref<10000x64xf32, #tpu.memory_space<vmem_shared>> -> memref<10000x64xf32, #tpu.memory_space<vmem_shared>>
        tpu.wait_indirect_dma semaphore(%run_scoped3A : memref<!tpu.dma_semaphore, #tpu.memory_space<semaphore_mem>>) src(%arg9 : memref<80x64xf32, #tpu.memory_space<vmem>>) dst(%dma_wait3A_103 : memref<10000x64xf32, #tpu.memory_space<vmem_shared>>)
        tpu.yield
      }) : () -> ()
      %add3A_74 = arith.constant 1 : i32
      %add3A_75 = arith.addi %mul3A_52, %add3A_74 : i32
      %add3A_76 = arith.constant 1 : i32
      %add3A_77 = arith.addi %add3A_75, %add3A_76 : i32
      %mul3A_78 = arith.constant 80 : i32
      %mul3A_79 = arith.muli %add3A_77, %mul3A_78 : i32
      %dma_start3A_80 = tpu.memref_slice %arg6[%mul3A_79] : memref<10000xi32, #tpu.memory_space<vmem>> -> memref<80xi32, #tpu.memory_space<vmem>>
      %dma_start3A_81 = arith.constant 0 : i32
      %dma_start3A_82 = arith.constant 0 : i32
      %dma_start3A_83 = tpu.memref_slice %arg2[%dma_start3A_81, %dma_start3A_82] : memref<10000x64xf32, #tpu.memory_space<hbm>> -> memref<10000x64xf32, #tpu.memory_space<hbm>>
      tpu.enqueue_indirect_dma source(%dma_start3A_83 : memref<10000x64xf32, #tpu.memory_space<hbm>>) target(%arg9 : memref<80x64xf32, #tpu.memory_space<vmem>>) offsets(%dma_start3A_80 : memref<80xi32, #tpu.memory_space<vmem>>) semaphore(%arg13 : memref<!tpu.dma_semaphore, #tpu.memory_space<semaphore_mem>>)
      %dma_wait3A_84 = arith.constant 0 : i32
      %dma_wait3A_85 = arith.constant 0 : i32
      %dma_wait3A_86 = tpu.memref_slice %arg2[%dma_wait3A_84, %dma_wait3A_85] : memref<10000x64xf32, #tpu.memory_space<hbm>> -> memref<80x64xf32, #tpu.memory_space<hbm>>
      %dma_wait3A_87 = arith.constant 0 : i32
      %dma_wait3A_88 = arith.constant 0 : i32
      %dma_wait3A_89 = tpu.memref_slice %arg2[%dma_wait3A_87, %dma_wait3A_88] : memref<10000x64xf32, #tpu.memory_space<hbm>> -> memref<80x64xf32, #tpu.memory_space<hbm>>
      tpu.wait_dma2 semaphore(%arg14 : memref<!tpu.dma_semaphore, #tpu.memory_space<semaphore_mem>>) src(%dma_wait3A_89 : memref<80x64xf32, #tpu.memory_space<hbm>>) dst(%arg10 : memref<80x64xf32, #tpu.memory_space<vmem>>)
      %scan3A_90 = arith.constant 0 : i32
      %scan3A_91 = arith.constant 0 : i32
      %scan3A_92 = arith.constant 5 : i32
      %scan3A_93 = arith.addi %scan3A_91, %scan3A_92 : i32
      %scan3A_94 = arith.constant 1 : i32
      %scan3A_95 = scf.for %scan3A_98 = %scan3A_91 to %scan3A_93 step %scan3A_94 iter_args(%scan3A_99 = %scan3A_90) -> (i32)  : i32 {
        %mul3A_100 = arith.constant 80 : i32
        %mul3A_101 = arith.muli %add3A_75, %mul3A_100 : i32
        %mul3A_102 = arith.constant 16 : i32
        %mul3A_103 = arith.muli %scan3A_98, %mul3A_102 : i32
        %add3A_104 = arith.addi %mul3A_101, %mul3A_103 : i32
        %get3A = arith.index_cast %add3A_104 : i32 to index
        %get3A_105 = tpu.vector_load %arg7[%get3A] {strides = array<i32>} : memref<10000xi32, #tpu.memory_space<vmem>>, vector<16xi32>,
        %get3A_106 = vector.shape_cast %get3A_105 : vector<16xi32> to vector<16xi32>
        %mul3A_107 = arith.constant 16 : i32
        %mul3A_108 = arith.muli %scan3A_98, %mul3A_107 : i32
        %swap3A = arith.index_cast %mul3A_108 : i32 to index
        %swap3A_109 = tpu.vector_load %arg8[%swap3A] {strides = array<i32>} : memref<80xi32, #tpu.memory_space<vmem>>, vector<16xi32>,
        %swap3A_110 = vector.shape_cast %swap3A_109 : vector<16xi32> to vector<16xi32>
        %swap3A_111 = vector.shape_cast %get3A_106 : vector<16xi32> to vector<16xi32>
        tpu.vector_store %arg8[%swap3A], %swap3A_111 {strides = array<i32>} : memref<80xi32, #tpu.memory_space<vmem>>, vector<16xi32>,
        %scan3A_112 = arith.constant 0 : i32
        scf.yield %scan3A_112 : i32
      }
      %scan3A_96 = arith.constant 5 : i32
      "tpu.region"() ({
        %run_scoped3A = tpu.sem_alloc : memref<!tpu.dma_semaphore, #tpu.memory_space<semaphore_mem>>
        %dma_start3A_98 = arith.constant 0 : i32
        %dma_start3A_99 = arith.constant 0 : i32
        %dma_start3A_100 = tpu.memref_slice %arg12[%dma_start3A_98, %dma_start3A_99] : memref<10000x64xf32, #tpu.memory_space<vmem_shared>> -> memref<10000x64xf32, #tpu.memory_space<vmem_shared>>
        tpu.enqueue_indirect_dma source(%arg10 : memref<80x64xf32, #tpu.memory_space<vmem>>) target(%dma_start3A_100 : memref<10000x64xf32, #tpu.memory_space<vmem_shared>>) offsets(%arg8 : memref<80xi32, #tpu.memory_space<vmem>>) semaphore(%run_scoped3A : memref<!tpu.dma_semaphore, #tpu.memory_space<semaphore_mem>>) {add = true}
        %dma_wait3A_101 = arith.constant 0 : i32
        %dma_wait3A_102 = arith.constant 0 : i32
        %dma_wait3A_103 = tpu.memref_slice %arg12[%dma_wait3A_101, %dma_wait3A_102] : memref<10000x64xf32, #tpu.memory_space<vmem_shared>> -> memref<10000x64xf32, #tpu.memory_space<vmem_shared>>
        tpu.wait_indirect_dma semaphore(%run_scoped3A : memref<!tpu.dma_semaphore, #tpu.memory_space<semaphore_mem>>) src(%arg10 : memref<80x64xf32, #tpu.memory_space<vmem>>) dst(%dma_wait3A_103 : memref<10000x64xf32, #tpu.memory_space<vmem_shared>>)
        tpu.yield
      }) : () -> ()
      %scan3A_97 = arith.constant 0 : i32
      scf.yield %scan3A_97 : i32
    }
    %scan3A_30 = arith.constant 62 : i32
    %dma_wait3A = arith.constant 0 : i32
    %dma_wait3A_31 = arith.constant 0 : i32
    %dma_wait3A_32 = tpu.memref_slice %arg2[%dma_wait3A, %dma_wait3A_31] : memref<10000x64xf32, #tpu.memory_space<hbm>> -> memref<80x64xf32, #tpu.memory_space<hbm>>
    %dma_wait3A_33 = arith.constant 0 : i32
    %dma_wait3A_34 = arith.constant 0 : i32
    %dma_wait3A_35 = tpu.memref_slice %arg2[%dma_wait3A_33, %dma_wait3A_34] : memref<10000x64xf32, #tpu.memory_space<hbm>> -> memref<80x64xf32, #tpu.memory_space<hbm>>
    tpu.wait_dma2 semaphore(%arg13 : memref<!tpu.dma_semaphore, #tpu.memory_space<semaphore_mem>>) src(%dma_wait3A_35 : memref<80x64xf32, #tpu.memory_space<hbm>>) dst(%arg9 : memref<80x64xf32, #tpu.memory_space<vmem>>)
    %scan3A_36 = arith.constant 0 : i32
    %scan3A_37 = arith.constant 0 : i32
    %scan3A_38 = arith.constant 5 : i32
    %scan3A_39 = arith.addi %scan3A_37, %scan3A_38 : i32
    %scan3A_40 = arith.constant 1 : i32
    %scan3A_41 = scf.for %scan3A_49 = %scan3A_37 to %scan3A_39 step %scan3A_40 iter_args(%scan3A_50 = %scan3A_36) -> (i32)  : i32 {
      %mul3A_51 = arith.constant 16 : i32
      %mul3A_52 = arith.muli %scan3A_49, %mul3A_51 : i32
      %add3A_53 = arith.constant 9920 : i32
      %add3A_54 = arith.addi %add3A_53, %mul3A_52 : i32
      %get3A = arith.index_cast %add3A_54 : i32 to index
      %get3A_55 = tpu.vector_load %arg7[%get3A] {strides = array<i32>} : memref<10000xi32, #tpu.memory_space<vmem>>, vector<16xi32>,
      %get3A_56 = vector.shape_cast %get3A_55 : vector<16xi32> to vector<16xi32>
      %mul3A_57 = arith.constant 16 : i32
      %mul3A_58 = arith.muli %scan3A_49, %mul3A_57 : i32
      %swap3A = arith.index_cast %mul3A_58 : i32 to index
      %swap3A_59 = tpu.vector_load %arg8[%swap3A] {strides = array<i32>} : memref<80xi32, #tpu.memory_space<vmem>>, vector<16xi32>,
      %swap3A_60 = vector.shape_cast %swap3A_59 : vector<16xi32> to vector<16xi32>
      %swap3A_61 = vector.shape_cast %get3A_56 : vector<16xi32> to vector<16xi32>
      tpu.vector_store %arg8[%swap3A], %swap3A_61 {strides = array<i32>} : memref<80xi32, #tpu.memory_space<vmem>>, vector<16xi32>,
      %scan3A_62 = arith.constant 0 : i32
      scf.yield %scan3A_62 : i32
    }
    %scan3A_42 = arith.constant 5 : i32
    "tpu.region"() ({
      %run_scoped3A = tpu.sem_alloc : memref<!tpu.dma_semaphore, #tpu.memory_space<semaphore_mem>>
      %dma_start3A_49 = arith.constant 0 : i32
      %dma_start3A_50 = arith.constant 0 : i32
      %dma_start3A_51 = tpu.memref_slice %arg12[%dma_start3A_49, %dma_start3A_50] : memref<10000x64xf32, #tpu.memory_space<vmem_shared>> -> memref<10000x64xf32, #tpu.memory_space<vmem_shared>>
      tpu.enqueue_indirect_dma source(%arg9 : memref<80x64xf32, #tpu.memory_space<vmem>>) target(%dma_start3A_51 : memref<10000x64xf32, #tpu.memory_space<vmem_shared>>) offsets(%arg8 : memref<80xi32, #tpu.memory_space<vmem>>) semaphore(%run_scoped3A : memref<!tpu.dma_semaphore, #tpu.memory_space<semaphore_mem>>) {add = true}
      %dma_wait3A_52 = arith.constant 0 : i32
      %dma_wait3A_53 = arith.constant 0 : i32
      %dma_wait3A_54 = tpu.memref_slice %arg12[%dma_wait3A_52, %dma_wait3A_53] : memref<10000x64xf32, #tpu.memory_space<vmem_shared>> -> memref<10000x64xf32, #tpu.memory_space<vmem_shared>>
      tpu.wait_indirect_dma semaphore(%run_scoped3A : memref<!tpu.dma_semaphore, #tpu.memory_space<semaphore_mem>>) src(%arg9 : memref<80x64xf32, #tpu.memory_space<vmem>>) dst(%dma_wait3A_54 : memref<10000x64xf32, #tpu.memory_space<vmem_shared>>)
      tpu.yield
    }) : () -> ()
    %barrier3A_43 = arith.constant 0 : index
    tpu.barrier barrier_id(%barrier3A_43)
    "tpu.region"() ({
      %run_scoped3A = tpu.sem_alloc : memref<!tpu.dma_semaphore, #tpu.memory_space<semaphore_mem>>
      %dma_start3A_49 = arith.constant 0 : i32
      %dma_start3A_50 = tpu.memref_slice %arg5[%arg0, %mul3A_8, %dma_start3A_49] : memref<2x10000x64xf32, #tpu.memory_space<hbm>> -> memref<1x624x64xf32, #tpu.memory_space<hbm>>
      %dma_start3A_51 = tpu.memref_squeeze %dma_start3A_50 : memref<1x624x64xf32, #tpu.memory_space<hbm>> -> memref<624x64xf32, #tpu.memory_space<hbm>>
      %dma_start3A_52 = arith.constant 0 : i32
      %dma_start3A_53 = tpu.memref_slice %arg12[%mul3A_8, %dma_start3A_52] : memref<10000x64xf32, #tpu.memory_space<vmem_shared>> -> memref<624x64xf32, #tpu.memory_space<vmem_shared>>
      tpu.enqueue_dma source(%dma_start3A_53 : memref<624x64xf32, #tpu.memory_space<vmem_shared>>) target(%dma_start3A_51 : memref<624x64xf32, #tpu.memory_space<hbm>>) target_semaphore(%run_scoped3A : memref<!tpu.dma_semaphore, #tpu.memory_space<semaphore_mem>>)
      %dma_wait3A_54 = arith.constant 0 : i32
      %dma_wait3A_55 = tpu.memref_slice %arg5[%arg0, %mul3A_8, %dma_wait3A_54] : memref<2x10000x64xf32, #tpu.memory_space<hbm>> -> memref<1x624x64xf32, #tpu.memory_space<hbm>>
      %dma_wait3A_56 = tpu.memref_squeeze %dma_wait3A_55 : memref<1x624x64xf32, #tpu.memory_space<hbm>> -> memref<624x64xf32, #tpu.memory_space<hbm>>
      %dma_wait3A_57 = arith.constant 0 : i32
      %dma_wait3A_58 = tpu.memref_slice %arg12[%mul3A_8, %dma_wait3A_57] : memref<10000x64xf32, #tpu.memory_space<vmem_shared>> -> memref<624x64xf32, #tpu.memory_space<vmem_shared>>
      tpu.wait_dma2 semaphore(%run_scoped3A : memref<!tpu.dma_semaphore, #tpu.memory_space<semaphore_mem>>) src(%dma_wait3A_58 : memref<624x64xf32, #tpu.memory_space<vmem_shared>>) dst(%dma_wait3A_56 : memref<624x64xf32, #tpu.memory_space<hbm>>)
      tpu.yield
    }) : () -> ()
    %eq3A_44 = arith.constant 15 : i32
    %eq3A_45 = arith.cmpi eq, %arg1, %eq3A_44 : i32
    %convert_element_type3A_46 = arith.extui %eq3A_45 : i1 to i32
    %cond3A_47 = arith.constant 0 : i32
    %cond3A_48 = arith.cmpi ne, %convert_element_type3A_46, %cond3A_47 : i32
    scf.if %cond3A_48 {
      "tpu.region"() ({
        %run_scoped3A = tpu.sem_alloc : memref<!tpu.dma_semaphore, #tpu.memory_space<semaphore_mem>>
        %dma_start3A_49 = arith.constant 9984 : i32
        %dma_start3A_50 = arith.constant 0 : i32
        %dma_start3A_51 = tpu.memref_slice %arg5[%arg0, %dma_start3A_49, %dma_start3A_50] : memref<2x10000x64xf32, #tpu.memory_space<hbm>> -> memref<1x16x64xf32, #tpu.memory_space<hbm>>
        %dma_start3A_52 = tpu.memref_squeeze %dma_start3A_51 : memref<1x16x64xf32, #tpu.memory_space<hbm>> -> memref<16x64xf32, #tpu.memory_space<hbm>>
        %dma_start3A_53 = arith.constant 9984 : i32
        %dma_start3A_54 = arith.constant 0 : i32
        %dma_start3A_55 = tpu.memref_slice %arg12[%dma_start3A_53, %dma_start3A_54] : memref<10000x64xf32, #tpu.memory_space<vmem_shared>> -> memref<16x64xf32, #tpu.memory_space<vmem_shared>>
        tpu.enqueue_dma source(%dma_start3A_55 : memref<16x64xf32, #tpu.memory_space<vmem_shared>>) target(%dma_start3A_52 : memref<16x64xf32, #tpu.memory_space<hbm>>) target_semaphore(%run_scoped3A : memref<!tpu.dma_semaphore, #tpu.memory_space<semaphore_mem>>)
        %dma_wait3A_56 = arith.constant 9984 : i32
        %dma_wait3A_57 = arith.constant 0 : i32
        %dma_wait3A_58 = tpu.memref_slice %arg5[%arg0, %dma_wait3A_56, %dma_wait3A_57] : memref<2x10000x64xf32, #tpu.memory_space<hbm>> -> memref<1x16x64xf32, #tpu.memory_space<hbm>>
        %dma_wait3A_59 = tpu.memref_squeeze %dma_wait3A_58 : memref<1x16x64xf32, #tpu.memory_space<hbm>> -> memref<16x64xf32, #tpu.memory_space<hbm>>
        %dma_wait3A_60 = arith.constant 9984 : i32
        %dma_wait3A_61 = arith.constant 0 : i32
        %dma_wait3A_62 = tpu.memref_slice %arg12[%dma_wait3A_60, %dma_wait3A_61] : memref<10000x64xf32, #tpu.memory_space<vmem_shared>> -> memref<16x64xf32, #tpu.memory_space<vmem_shared>>
        tpu.wait_dma2 semaphore(%run_scoped3A : memref<!tpu.dma_semaphore, #tpu.memory_space<semaphore_mem>>) src(%dma_wait3A_62 : memref<16x64xf32, #tpu.memory_space<vmem_shared>>) dst(%dma_wait3A_59 : memref<16x64xf32, #tpu.memory_space<hbm>>)
        tpu.yield
      }) : () -> ()
    } else {
    }
    return
  }
}

module attributes {stable_mosaic.version = 14 : i64} {
  func.func @_mm_body(%arg0: i32, %arg1: memref<1000x128xf32, #tpu.memory_space<vmem>>, %arg2: memref<128x128xf32, #tpu.memory_space<vmem>>, %arg3: memref<1000x128xf32, #tpu.memory_space<vmem>>) attributes {dimension_semantics = [#tpu.dimension_semantics<arbitrary>], iteration_bounds = array<i64: 10>, scalar_prefetch = 0 : i64, scratch_operands = 0 : i64, tpu.core_type = #tpu.core_type<tc>, window_params = [{transform_indices = @transform_0, window_bounds = array<i64: 1000, 128>}, {pipeline_mode = #tpu.pipeline_mode<synchronous>, transform_indices = @transform_1, window_bounds = array<i64: 128, 128>}, {transform_indices = @transform_2, window_bounds = array<i64: 1000, 128>}]} {
    %get3A = arith.constant 0 : index
    %get3A_0 = arith.constant 0 : index
    %get3A_1 = vector.load %arg1[%get3A, %get3A_0] : memref<1000x128xf32, #tpu.memory_space<vmem>>, vector<1000x128xf32>
    %get3A_2 = arith.constant 0 : index
    %get3A_3 = arith.constant 0 : index
    %get3A_4 = vector.load %arg2[%get3A_2, %get3A_3] : memref<128x128xf32, #tpu.memory_space<vmem>>, vector<128x128xf32>
    %dot_general3A = arith.constant dense<0.000000e+00> : vector<1000x128xf32>
    %dot_general3A_5 = tpu.matmul %get3A_1, %get3A_4, %dot_general3A {dimension_numbers = #tpu.dot_dimension_numbers<[1], [0], [0], [1], [0, 0, 1, 1], [], []>, transpose_lhs_hint = false} : vector<1000x128xf32>, vector<128x128xf32>, vector<1000x128xf32> -> vector<1000x128xf32>
    %swap3A = arith.constant 0 : index
    %swap3A_6 = arith.constant 0 : index
    %swap3A_7 = vector.load %arg3[%swap3A, %swap3A_6] : memref<1000x128xf32, #tpu.memory_space<vmem>>, vector<1000x128xf32>
    tpu.vector_store %arg3[%swap3A, %swap3A_6], %dot_general3A_5 {strides = array<i32>} : memref<1000x128xf32, #tpu.memory_space<vmem>>, vector<1000x128xf32>,
    return
  }
  func.func @transform_0(%arg0: i32) -> (i32, i32) {
    %c0_i32 = arith.constant 0 : i32
    %c0_i32_0 = arith.constant 0 : i32
    return %arg0, %c0_i32 : i32, i32
  }
  func.func @transform_1(%arg0: i32) -> (i32, i32) {
    %c0_i32 = arith.constant 0 : i32
    %c0_i32_0 = arith.constant 0 : i32
    %c0_i32_1 = arith.constant 0 : i32
    return %c0_i32, %c0_i32_0 : i32, i32
  }
  func.func @transform_2(%arg0: i32) -> (i32, i32) {
    %c0_i32 = arith.constant 0 : i32
    %c0_i32_0 = arith.constant 0 : i32
    return %arg0, %c0_i32 : i32, i32
  }
}

module attributes {stable_mosaic.version = 14 : i64} {
  func.func @_layer2_body(%arg0: i32, %arg1: memref<1000x128xf32, #tpu.memory_space<vmem>>, %arg2: memref<1000x128xf32, #tpu.memory_space<vmem>>, %arg3: memref<1x128xf32, #tpu.memory_space<vmem>>, %arg4: memref<128x64xf32, #tpu.memory_space<vmem>>, %arg5: memref<1000x64xf32, #tpu.memory_space<vmem>>) attributes {dimension_semantics = [#tpu.dimension_semantics<arbitrary>], iteration_bounds = array<i64: 10>, scalar_prefetch = 0 : i64, scratch_operands = 0 : i64, tpu.core_type = #tpu.core_type<tc>, window_params = [{transform_indices = @transform_0, window_bounds = array<i64: 1000, 128>}, {transform_indices = @transform_1, window_bounds = array<i64: 1000, 128>}, {pipeline_mode = #tpu.pipeline_mode<synchronous>, transform_indices = @transform_2, window_bounds = array<i64: 1, 128>}, {pipeline_mode = #tpu.pipeline_mode<synchronous>, transform_indices = @transform_3, window_bounds = array<i64: 128, 64>}, {transform_indices = @transform_4, window_bounds = array<i64: 1000, 64>}]} {
    %get3A = arith.constant 0 : index
    %get3A_0 = arith.constant 0 : index
    %get3A_1 = vector.load %arg1[%get3A, %get3A_0] : memref<1000x128xf32, #tpu.memory_space<vmem>>, vector<1000x128xf32>
    %get3A_2 = arith.constant 0 : index
    %get3A_3 = arith.constant 0 : index
    %get3A_4 = vector.load %arg2[%get3A_2, %get3A_3] : memref<1000x128xf32, #tpu.memory_space<vmem>>, vector<1000x128xf32>
    %add3A = arith.addf %get3A_1, %get3A_4 : vector<1000x128xf32>
    %get3A_5 = arith.constant 0 : index
    %get3A_6 = arith.constant 0 : index
    %get3A_7 = vector.load %arg3[%get3A_5, %get3A_6] : memref<1x128xf32, #tpu.memory_space<vmem>>, vector<1x128xf32>
    %add3A_8 = vector.broadcast %get3A_7 : vector<1x128xf32> to vector<1000x128xf32>
    %add3A_9 = arith.addf %add3A, %add3A_8 : vector<1000x128xf32>
    %max3A = arith.constant 0.000000e+00 : f32
    %max3A_10 = vector.broadcast %max3A : f32 to vector<1000x128xf32>
    %max3A_11 = arith.maximumf %add3A_9, %max3A_10 : vector<1000x128xf32>
    %get3A_12 = arith.constant 0 : index
    %get3A_13 = arith.constant 0 : index
    %get3A_14 = vector.load %arg4[%get3A_12, %get3A_13] : memref<128x64xf32, #tpu.memory_space<vmem>>, vector<128x64xf32>
    %dot_general3A = arith.constant dense<0.000000e+00> : vector<1000x64xf32>
    %dot_general3A_15 = tpu.matmul %max3A_11, %get3A_14, %dot_general3A {dimension_numbers = #tpu.dot_dimension_numbers<[1], [0], [0], [1], [0, 0, 1, 1], [], []>, transpose_lhs_hint = false} : vector<1000x128xf32>, vector<128x64xf32>, vector<1000x64xf32> -> vector<1000x64xf32>
    %swap3A = arith.constant 0 : index
    %swap3A_16 = arith.constant 0 : index
    %swap3A_17 = vector.load %arg5[%swap3A, %swap3A_16] : memref<1000x64xf32, #tpu.memory_space<vmem>>, vector<1000x64xf32>
    tpu.vector_store %arg5[%swap3A, %swap3A_16], %dot_general3A_15 {strides = array<i32>} : memref<1000x64xf32, #tpu.memory_space<vmem>>, vector<1000x64xf32>,
    return
  }
  func.func @transform_0(%arg0: i32) -> (i32, i32) {
    %c0_i32 = arith.constant 0 : i32
    %c0_i32_0 = arith.constant 0 : i32
    return %arg0, %c0_i32 : i32, i32
  }
  func.func @transform_1(%arg0: i32) -> (i32, i32) {
    %c0_i32 = arith.constant 0 : i32
    %c0_i32_0 = arith.constant 0 : i32
    return %arg0, %c0_i32 : i32, i32
  }
  func.func @transform_2(%arg0: i32) -> (i32, i32) {
    %c0_i32 = arith.constant 0 : i32
    %c0_i32_0 = arith.constant 0 : i32
    %c0_i32_1 = arith.constant 0 : i32
    return %c0_i32, %c0_i32_0 : i32, i32
  }
  func.func @transform_3(%arg0: i32) -> (i32, i32) {
    %c0_i32 = arith.constant 0 : i32
    %c0_i32_0 = arith.constant 0 : i32
    %c0_i32_1 = arith.constant 0 : i32
    return %c0_i32, %c0_i32_0 : i32, i32
  }
  func.func @transform_4(%arg0: i32) -> (i32, i32) {
    %c0_i32 = arith.constant 0 : i32
    %c0_i32_0 = arith.constant 0 : i32
    return %arg0, %c0_i32 : i32, i32
  }
}

module attributes {stable_mosaic.version = 14 : i64} {
  func.func @_score_body(%arg0: i32, %arg1: memref<1000x64xf32, #tpu.memory_space<vmem>>, %arg2: memref<1000x64xf32, #tpu.memory_space<vmem>>, %arg3: memref<1x64xf32, #tpu.memory_space<vmem>>, %arg4: memref<64x1xf32, #tpu.memory_space<vmem>>, %arg5: memref<1x1xf32, #tpu.memory_space<vmem>>, %arg6: memref<1000x1xf32, #tpu.memory_space<vmem>>) attributes {dimension_semantics = [#tpu.dimension_semantics<arbitrary>], iteration_bounds = array<i64: 10>, scalar_prefetch = 0 : i64, scratch_operands = 0 : i64, tpu.core_type = #tpu.core_type<tc>, window_params = [{transform_indices = @transform_0, window_bounds = array<i64: 1000, 64>}, {transform_indices = @transform_1, window_bounds = array<i64: 1000, 64>}, {pipeline_mode = #tpu.pipeline_mode<synchronous>, transform_indices = @transform_2, window_bounds = array<i64: 1, 64>}, {pipeline_mode = #tpu.pipeline_mode<synchronous>, transform_indices = @transform_3, window_bounds = array<i64: 64, 1>}, {pipeline_mode = #tpu.pipeline_mode<synchronous>, transform_indices = @transform_4, window_bounds = array<i64: 1, 1>}, {transform_indices = @transform_5, window_bounds = array<i64: 1000, 1>}]} {
    %get3A = arith.constant 0 : index
    %get3A_0 = arith.constant 0 : index
    %get3A_1 = vector.load %arg1[%get3A, %get3A_0] : memref<1000x64xf32, #tpu.memory_space<vmem>>, vector<1000x64xf32>
    %get3A_2 = arith.constant 0 : index
    %get3A_3 = arith.constant 0 : index
    %get3A_4 = vector.load %arg2[%get3A_2, %get3A_3] : memref<1000x64xf32, #tpu.memory_space<vmem>>, vector<1000x64xf32>
    %add3A = arith.addf %get3A_1, %get3A_4 : vector<1000x64xf32>
    %get3A_5 = arith.constant 0 : index
    %get3A_6 = arith.constant 0 : index
    %get3A_7 = vector.load %arg3[%get3A_5, %get3A_6] : memref<1x64xf32, #tpu.memory_space<vmem>>, vector<1x64xf32>
    %add3A_8 = vector.broadcast %get3A_7 : vector<1x64xf32> to vector<1000x64xf32>
    %add3A_9 = arith.addf %add3A, %add3A_8 : vector<1000x64xf32>
    %get3A_10 = arith.constant 0 : index
    %get3A_11 = arith.constant 0 : index
    %get3A_12 = vector.load %arg4[%get3A_10, %get3A_11] : memref<64x1xf32, #tpu.memory_space<vmem>>, vector<64x1xf32>
    %dot_general3A = arith.constant dense<0.000000e+00> : vector<1000x1xf32>
    %dot_general3A_13 = tpu.matmul %add3A_9, %get3A_12, %dot_general3A {dimension_numbers = #tpu.dot_dimension_numbers<[1], [0], [0], [1], [0, 0, 1, 1], [], []>, transpose_lhs_hint = false} : vector<1000x64xf32>, vector<64x1xf32>, vector<1000x1xf32> -> vector<1000x1xf32>
    %get3A_14 = arith.constant 0 : index
    %get3A_15 = arith.constant 0 : index
    %get3A_16 = vector.load %arg5[%get3A_14, %get3A_15] : memref<1x1xf32, #tpu.memory_space<vmem>>, vector<1x1xf32>
    %add3A_17 = vector.broadcast %get3A_16 : vector<1x1xf32> to vector<1000x1xf32>
    %add3A_18 = arith.addf %dot_general3A_13, %add3A_17 : vector<1000x1xf32>
    %logistic3A = arith.negf %add3A_18 : vector<1000x1xf32>
    %logistic3A_19 = math.exp %logistic3A : vector<1000x1xf32>
    %logistic3A_20 = arith.constant 1.000000e+00 : f32
    %logistic3A_21 = vector.broadcast %logistic3A_20 : f32 to vector<1000x1xf32>
    %logistic3A_22 = arith.addf %logistic3A_21, %logistic3A_19 : vector<1000x1xf32>
    %logistic3A_23 = arith.divf %logistic3A_21, %logistic3A_22 : vector<1000x1xf32>
    %swap3A = arith.constant 0 : index
    %swap3A_24 = arith.constant 0 : index
    %swap3A_25 = vector.load %arg6[%swap3A, %swap3A_24] : memref<1000x1xf32, #tpu.memory_space<vmem>>, vector<1000x1xf32>
    tpu.vector_store %arg6[%swap3A, %swap3A_24], %logistic3A_23 {strides = array<i32>} : memref<1000x1xf32, #tpu.memory_space<vmem>>, vector<1000x1xf32>,
    return
  }
  func.func @transform_0(%arg0: i32) -> (i32, i32) {
    %c0_i32 = arith.constant 0 : i32
    %c0_i32_0 = arith.constant 0 : i32
    return %arg0, %c0_i32 : i32, i32
  }
  func.func @transform_1(%arg0: i32) -> (i32, i32) {
    %c0_i32 = arith.constant 0 : i32
    %c0_i32_0 = arith.constant 0 : i32
    return %arg0, %c0_i32 : i32, i32
  }
  func.func @transform_2(%arg0: i32) -> (i32, i32) {
    %c0_i32 = arith.constant 0 : i32
    %c0_i32_0 = arith.constant 0 : i32
    %c0_i32_1 = arith.constant 0 : i32
    return %c0_i32, %c0_i32_0 : i32, i32
  }
  func.func @transform_3(%arg0: i32) -> (i32, i32) {
    %c0_i32 = arith.constant 0 : i32
    %c0_i32_0 = arith.constant 0 : i32
    %c0_i32_1 = arith.constant 0 : i32
    return %c0_i32, %c0_i32_0 : i32, i32
  }
  func.func @transform_4(%arg0: i32) -> (i32, i32) {
    %c0_i32 = arith.constant 0 : i32
    %c0_i32_0 = arith.constant 0 : i32
    %c0_i32_1 = arith.constant 0 : i32
    return %c0_i32, %c0_i32_0 : i32, i32
  }
  func.func @transform_5(%arg0: i32) -> (i32, i32) {
    %c0_i32 = arith.constant 0 : i32
    %c0_i32_0 = arith.constant 0 : i32
    return %arg0, %c0_i32 : i32, i32
  }
}

</mosaic_0001>

<sc_bundles>
// kernel: kernel.10.cloned.1.call-start
scs
__scs_entry_jumppad:
0x0: {  	(pc) =	sbr.rel $0x88, $3  }
0x1: {  	(tag) =	ssettag $0x0;
	lr =	simm.s32 $0x1  }
0x2: {  	[smem:$0x3F97] =	sst lr;
	_ =	strace $0xD0000000  }
0x3: {  	_ = 	snop  }
0x4: {  	_ = 	snop  }
0x5: {  	_ = 	snop  }
0x6: {  	_ = 	snop  }
0x7: {  	_ = 	snop  }
__scs_overlays_trampoline_lowered:
0x8: {  	[smem:$0x3FA6] =	sst s0  }
0x9: {  	[smem:$0x3FA7] =	sst s1  }
0xa: {  	[smem:$0x3FA8] =	sst s2  }
0xb: {  	[smem:$0x3FA9] =	sst s3  }
0xc: {  	[smem:$0x3FAA] =	sst s4  }
0xd: {  	[smem:$0x3FAB] =	sst s5  }
0xe: {  	[smem:$0x3FAC] =	sst s6  }
0xf: {  	[smem:$0x3FAD] =	sst s7  }
0x10: {  	[smem:$0x3FAE] =	sst s8  }
0x11: {  	[smem:$0x3FAF] =	sst s9;
	s0 =	simm.s32 @!p0 $0x0  }
0x12: {  	s1 =	sld [smem:$0x3F95];
	s0 =	simm.s32 @p0 $0x1  }
0x13: {  	[smem:$0x3FB0] =	sst s0;
	s0 =	simm.s32 @!p1 $0x0  }
0x14: {  	s2 =	sld [smem:$0x3F94];
	s0 =	simm.s32 @p1 $0x1  }
0x15: {  	[smem:$0x3FB1] =	sst s0;
	s0 =	simm.s32 @!p2 $0x0  }
0x16: {  	s3 =	sld [smem:$0x3FDB];
	s0 =	simm.s32 @p2 $0x1  }
0x17: {  	s4 =	simm.s32 $0x1BF5;
	[smem:$0x3FB3] =	sst s0  }
0x18: {  	s0 =	sld [smem:$0x3F96];
	_ =	swait.ge [sflag:s4], $0x0  }
0x19: {  	s7 =	sld [smem:$0x3F97]  }
0x1a: {  	s8 =	sadd.s32 $0xFFFFE003, lr  }
0x1b: {  	s9 =	sadd.s32 $0xFFFFFEF7, lr;
	s5 =	simm.s32 $0xFFFFFFFF;
	p2 =	slt.u32 s8, $0xFFFFF086  }
0x1c: {  	p1 =	slt.u32 s9, $0xF7A;
	s5 =	simm.s32 @!p2 $0x0  }
0x1d: {  	s5 =	simm.s32 @p1 $0x1;
	p0 =	seq.s32 s7, s2  }
0x1e: {  	s7 =	smul.u32 @!p0 $0xF7A, s2;
	p2 =	seq.s32 @!p0 s5, $0x0  }
0x1f: {  	s9 =	smul.u32 $0xF7A, s1;
	s8 =	simm.s32 @!p0 $0x1BF5;
	p2 =	por !p2, p0  }
0x20: {  	[sflag:s8] =	ssyncset.s32 @!p0 $0xFFFFF086;
	s6 =	sadd.s32 @!p0 s3, s7;
	s7 =	simm.s32 @!p0 $0x108  }
0x21: {  	s3 =	sadd.s32 s3, s9;
	s6 =	sadd.s32 @!p0 $0x88, s6;
	s7 =	simm.s32 @p2 $0x1082  }
0x22: {  	[simem:s7], [sflag:s8] =	dma.local @!p0 [hbm:s6], $0xF7A  }
0x23: {  	s9 =	sor.u32 $0xD0000000, s2;
	s6 =	simm.s32 $0x108;
	_ =	swait.ge @!p0 [sflag:s8], $0x0  }
0x24: {  	s3 =	sadd.s32 $0x88, s3;
	s6 =	simm.s32 @!p1 $0x1082;
	[sflag:s4] =	ssyncset.s32 $0xFFFFF086  }
0x25: {  	[simem:s6], [sflag:s4] =	dma.local [hbm:s3], $0xF7A  }
0x26: {  	[smem:$0x3F97] =	sst s1;
	(tag) =	ssettag s2;
	_ =	strace s9  }
0x27: {  	s1 =	sld [smem:$0x3FA7]  }
0x28: {  	s2 =	sld [smem:$0x3FA8]  }
0x29: {  	s4 =	sld [smem:$0x3FAA]  }
0x2a: {  	p0 =	seq.s32 s5, $0x0;
	s5 =	sld [smem:$0x3FAB]  }
0x2b: {  	s6 =	sld [smem:$0x3FAC]  }
0x2c: {  	s7 =	sld [smem:$0x3FAD]  }
0x2d: {  	s3 =	simm.s32 $0x108;
	s8 =	sld [smem:$0x3FAE]  }
0x2e: {  	s3 =	simm.s32 @!p0 $0x1082;
	s9 =	sld [smem:$0x3FAF]  }
0x2f: {  	lr =	sadd.s32 s0, s3;
	s0 =	sld [smem:$0x3FA6]  }
0x30: {  	s3 =	sld [smem:$0x3FA9]  }
0x31: {  	[smem:$0x3FB2] =	sst s10  }
0x32: {  	s10 =	sld [smem:$0x3FB0];
	_ =	sdelay $0x3  }
0x33: {  	p0 =	seq.s32 s10, $0x1;
	s10 =	sld [smem:$0x3FB2];
	_ =	sdelay $0x3  }
0x34: {  	[smem:$0x3FB2] =	sst s10  }
0x35: {  	s10 =	sld [smem:$0x3FB1];
	_ =	sdelay $0x3  }
0x36: {  	p1 =	seq.s32 s10, $0x1;
	s10 =	sld [smem:$0x3FB2];
	_ =	sdelay $0x3  }
0x37: {  	[smem:$0x3FB2] =	sst s10  }
0x38: {  	s10 =	sld [smem:$0x3FB3]  }
0x39: {  	_ = 	snop;
	(pc) =	sbr.ind lr, $3  }
0x3a: {  	_ = 	snop  }
0x3b: {  	_ = 	snop  }
0x3c: {  	p2 =	seq.s32 s10, $0x1;
	s10 =	sld [smem:$0x3FB2]  }
0x3d: {  	_ =	shalt  }
0x3e: {  	_ =	shalt  }
0x3f: {  	_ =	shalt  }
0x40: {  	_ =	shalt  }
0x41: {  	_ =	shalt  }
0x42: {  	_ =	shalt  }
0x43: {  	_ =	shalt  }
0x44: {  	_ =	shalt  }
0x45: {  	_ =	shalt  }
0x46: {  	_ =	shalt  }
0x47: {  	_ =	shalt  }
0x48: {  	_ =	shalt  }
0x49: {  	_ =	shalt  }
0x4a: {  	_ =	shalt  }
0x4b: {  	_ =	shalt  }
0x4c: {  	_ =	shalt  }
0x4d: {  	_ =	shalt  }
0x4e: {  	_ =	shalt  }
0x4f: {  	_ =	shalt  }
0x50: {  	_ =	shalt  }
0x51: {  	_ =	shalt  }
0x52: {  	_ =	shalt  }
0x53: {  	_ =	shalt  }
0x54: {  	_ =	shalt  }
0x55: {  	_ =	shalt  }
0x56: {  	_ =	shalt  }
0x57: {  	_ =	shalt  }
0x58: {  	_ =	shalt  }
0x59: {  	_ =	shalt  }
0x5a: {  	_ =	shalt  }
0x5b: {  	_ =	shalt  }
0x5c: {  	_ =	shalt  }
0x5d: {  	_ =	shalt  }
0x5e: {  	_ =	shalt  }
0x5f: {  	_ =	shalt  }
0x60: {  	_ =	shalt  }
0x61: {  	_ =	shalt  }
0x62: {  	_ =	shalt  }
0x63: {  	_ =	shalt  }
0x64: {  	_ =	shalt  }
0x65: {  	_ =	shalt  }
0x66: {  	_ =	shalt  }
0x67: {  	_ =	shalt  }
0x68: {  	_ =	shalt  }
0x69: {  	_ =	shalt  }
0x6a: {  	_ =	shalt  }
0x6b: {  	_ =	shalt  }
0x6c: {  	_ =	shalt  }
0x6d: {  	_ =	shalt  }
0x6e: {  	_ =	shalt  }
0x6f: {  	_ =	shalt  }
0x70: {  	_ =	shalt  }
0x71: {  	_ =	shalt  }
0x72: {  	_ =	shalt  }
0x73: {  	_ =	shalt  }
0x74: {  	_ =	shalt  }
0x75: {  	_ =	shalt  }
0x76: {  	_ =	shalt  }
0x77: {  	_ =	shalt  }
0x78: {  	_ =	shalt  }
0x79: {  	_ =	shalt  }
0x7a: {  	_ =	shalt  }
0x7b: {  	_ =	shalt  }
0x7c: {  	_ =	shalt  }
0x7d: {  	_ =	shalt  }
0x7e: {  	_ =	shalt  }
0x7f: {  	_ =	shalt  }
0x80: {  	_ =	shalt  }
0x81: {  	_ =	shalt  }
0x82: {  	_ =	shalt  }
0x83: {  	_ =	shalt  }
0x84: {  	_ =	shalt  }
0x85: {  	_ =	shalt  }
0x86: {  	_ =	shalt  }
0x87: {  	_ =	shalt  }
.Lfunc_end0:
.L_simem_size_0:
called_computation.1_lowered:
.L_overlay_start_0:
0x88: {  	s2 =	sld [smem:$0x3FD9]  }
0x89: {  	s3 =	sld [smem:$0x3FFE];
	_ =	sdelay $0x1  }
0x8a: {  	s1 =	srdreg.scid  }
0x8b: {  	s0 =	sand.u32 $0x1, s1  }
0x8c: {  	s16 =	sshll.u32 s0, $0xA;
	s2 =	sadd.s32 s3, s2  }
0x8d: {  	s2 =	sadd.s32 s2, s16  }
0x8e: {  	[smem:$0x3FBE] =	sst s2  }
0x8f: {  	_ = 	snop  }
0x90: {  	(tm) =	ssettm $0x1  }
0x91: {  	s17 =	sld [smem:$0x3FFB];
	_ =	sdelay $0x3  }
0x92: {  	_ =	strace s17  }
0x93: {  	s2 =	sld [smem:$0x3FFC];
	_ =	sdelay $0x3  }
0x94: {  	_ =	strace s2  }
0x95: {  	s2 =	sld [smem:$0x3FFD];
	_ =	sdelay $0x3  }
0x96: {  	_ =	strace s2  }
0x97: {  	_ =	strace $0x8FFFFFFF  }
0x98: {  	s18 =	sld [smem:$0x3FDB];
	_ =	sdelay $0x1  }
0x99: {  	s19 =	simm.s32 $_scs_section_size  }
0x9a: {  	s4 =	simm.s32 $_size__tile_overlayer_lowered;
	s5 =	simm.s32 $_tile_overlayer_lowered  }
0x9b: {  	s22 =	simm.s32 $0x1BFF;
	s21 =	sshll.u32 s5, $0x1;
	s2 =	sadd.s32 s19, s18  }
0x9c: {  	s6 =	simm.s32 $0x0;
	s20 =	sshll.u32 s4, $0x1;
	s4 =	sadd.s32 s21, s2  }
0x9d: {  	[timem:s6], [sflag:s22] =	dma.local [hbm:s4], s20  }
0x9e: {  	_ =	swait.ge [sflag:s22], s20  }
0x9f: {  	s3 =	ssub.s32 $0x0, s20;
	[sflag:s22] =	ssyncset.done $0x0  }
0xa0: {  	[sflag:s22] =	ssyncadd.s32 s3;
	_ =	sdelay $0x1  }
0xa1: {  	s23 =	simm.s32 $0x1B8B  }
0xa2: {  	_ =	swait.ge [sflag:s23], $0x1  }
0xa3: {  	[sflag:s23] =	ssyncset.done $0x0  }
0xa4: {  	s25 =	simm.s32 $0x1B8E;
	s24 =	sld [smem:$0x3FFE];
	[sflag:s23] =	ssyncadd.s32 $0xFFFFFFFF  }
0xa5: {  	s26 =	simm.s32 $execute0_lowered;
	[smem:$0x3FD2] =	sst s25  }
0xa6: {  	s4 =	sshll.u32 s26, $0x1;
	_ =	strace $0x80000049;
	[dreg:$0x1] =	wrdreg $0xFFFFFFFF  }
0xa7: {  	s28 =	simm.s32 $_size_execute0_lowered;
	s2 =	sadd.s32 s2, s4;
	[dreg:$0x0] =	wrdreg $0x0  }
0xa8: {  	s4 =	sshll.u32 s28, $0x1;
	[dreg:$0x2] =	wrdreg s2  }
0xa9: {  	[dreg:$0x3] =	wrdreg s4  }
0xaa: {  	[dreg:$0x4] =	wrdreg $0xC0  }
0xab: {  	_ =	task [dreg:s6], $0x5FFFF  }
0xac: {  	[dreg:$0x1] =	wrdreg $0xFFFFFFFF  }
0xad: {  	[dreg:$0x0] =	wrdreg $0x60  }
0xae: {  	[dreg:$0x2] =	wrdreg s24  }
0xaf: {  	[dreg:$0x3] =	wrdreg $0x82700  }
0xb0: {  	[dreg:$0x4] =	wrdreg $0x9  }
0xb1: {  	_ =	task.clear_ibuf [dreg:s6], $0x5FFFF;
	_ =	strace $0x90000049  }
0xb2: {  	s29 =	simm.s32 $0x9;
	_ =	strace $0x8000004B  }
0xb3: {  	_ =	swait.ge [sflag:s29], $0x1  }
0xb4: {  	[sflag:s29] =	ssyncadd.s32 $0xFFFFFFFF  }
0xb5: {  	_ =	strace $0x9000004B  }
0xb6: {  	_ =	sfence  }
0xb7: {  	s30 =	sld [smem:$0x0];
	_ =	sdelay $0x2  }
0xb8: {  	s31 =	sshll.u32 s1, $0xD;
	s1 =	sshrl.u32 s1, $0x2  }
0xb9: {  	s3 =	sand.u32 $0x4000, s31;
	s1 =	sadd.s32 s1, s30  }
0xba: {  	s0 =	sor.u32 s3, s0;
	s1 =	sshll.u32 s1, $0x11  }
0xbb: {  	s0 =	sor.u32 s1, s0  }
0xbc: {  	s0 =	sadd.s32 $0x8F2B, s0  }
0xbd: {  	[sflag:s0] =	ssyncadd.remote.s32 $0x1  }
0xbe: {  	_ =	sfence.sel $0xFFFF  }
0xbf: {  	[dreg:$0x0] =	wrdreg $0xFFFFFFFF;
	(pc) =	sbr.abs _section_cstart, $3  }
0xc0: {  	[dreg:$0x1] =	wrdreg $0xFFFFFFFF  }
0xc1: {  	_ =	task.clear_ibuf [dreg:s6], $0x2FFFF;
	_ =	strace $0x9FFFFFFF  }
0xc2: {  	(tm) =	ssettm $0x7FFFFFFF  }
0xc3: {  	_ =	shalt  }
tec
execute0_lowered:
.L_overlay_start_1:
0x0: {  	(tag) =	ssettag $0x1  }
0x1: {  	s0 =	srdreg.scid;
	s1 =	rddreg [dreg:$0x0]  }
0x2: {  	s2 =	rddreg [dreg:$0x1];
	s11 =	stileid.u32;
	s3 =	simm.s32 $0x0  }
0x3: {  	s29 =	simm.s32 $0x50;
	s30 =	simm.s32 $0x4E70;
	s31 =	simm.s32 $0x6270  }
0x4: {  	s28 =	simm.s32 $0x4E20;
	s0 =	sand.u32 $0x1, s0;
	s8 =	smul.u32 $0x9C00, s11  }
0x5: {  	[smem:$0x7FF] =	sst s3;
	s9 =	sadd.s32 $0x27600, s1;
	s23 =	smul.u32 $0x27000, s11  }
0x6: {  	p0 =	sne.s32 s11, $0xF;
	s4 =	sshll.u32 s0, $0x4;
	_ =	strace $0x8000004A  }
0x7: {  	s5 =	ssub.s32 $0x2, s0;
	s0 =	smul.u32 $0x9C400, s0;
	s4 =	sor.u32 s11, s4  }
0x8: {  	s7 =	sshrl.u32 s5, $0x1;
	s24 =	sshrl.u32 s23, $0x2;
	s25 =	sadd.s32 s8, s2  }
0x9: {  	s6 =	smul.u32 $0x4E2, s4;
	s4 =	sadd.s32 $0x13C00, s1;
	s7 =	ssub.s32 s5, s7  }
0xa: {  	s22 =	sadd.s32 s8, s0;
	s0 =	sshrl.u32 s0, $0x3;
	s26 =	smax.u32 s7, $0x1  }
0xb: {  	s0 =	sadd.s32 s9, s0;
	s10 =	sadd.s32 s1, s6;
	[dreg:$0x7] =	wrdreg s26  }
0xc: {  	s5 =	sadd.s32 $0x9C000, s2;
	s0 =	sadd.s32 $0x13800, s0;
	[dreg:$0x3] =	wrdreg s10  }
0xd: {  	s1 =	sshrl.u32 s22, $0x3;
	s10 =	sadd.s32 $0x9E00, s10;
	[dreg:$0x6] =	wrdreg s0  }
0xe: {  	s25 =	sshrl.u32 s25, $0x3;
	s1 =	sadd.s32 s9, s1;
	[dreg:$0x4] =	wrdreg s10  }
0xf: {  	s26 =	simm.s32 $0x3;
	s0 =	simm.s32 $0x1;
	[dreg:$0x5] =	wrdreg s1  }
0x10: {  	s10 =	sadd.s32 s24, s2;
	s24 =	simm.s32 $0x7670;
	s1 =	simm.s32 $0x2  }
0x11: {  	s12 =	sadd.s32 $0xC00, s10;
	s13 =	sadd.s32 $0x1800, s10;
	s14 =	sadd.s32 $0x2400, s10  }
0x12: {  	s15 =	sadd.s32 $0x3000, s10;
	s16 =	sadd.s32 $0x3C00, s10;
	s17 =	sadd.s32 $0x4800, s10  }
0x13: {  	s18 =	sadd.s32 $0x5400, s10;
	s19 =	sadd.s32 $0x6000, s10;
	s20 =	sadd.s32 $0x6C00, s10  }
0x14: {  	v0 =	vimm.f32 $0.0e+00;
	s21 =	sadd.s32 $0x7800, s10;
	s22 =	sadd.s32 $0x8400, s10;
	s23 =	sadd.s32 $0x9000, s10  }
.LBB2_1:
0x15: {  	s8 =	simm.s32 $0x100;
	s7 =	simm.s32 $0x0  }
.LBB2_2:
0x16: {  	p1 =	sne.s32 s8, $0x2F00;
	[tilespmem:s7+$0x76A0] =	vst v0;
	s6 =	smov.u32 s8;
	s8 =	sadd.s32 $0x100, s8  }
.Ltmp0:
0x17: {  	[tilespmem:s7+$0x7690] =	vst v0;
	(pc) =	sbr.rel @p1 .LBB2_2-.Ltmp0, $3  }
0x18: {  	[tilespmem:s7+$0x7670] =	vst v0  }
0x19: {  	[tilespmem:s7+$0x7680] =	vst v0;
	_ =	sdelay $0x1  }
0x1a: {  	s7 =	sshra.s32 s6, $0x2  }
0x1b: {  	[tilespmem:s7+$0x76A0] =	vst v0  }
0x1c: {  	[tilespmem:s7+$0x7690] =	vst v0  }
0x1d: {  	[tilespmem:s7+$0x7670] =	vst v0  }
0x1e: {  	[tilespmem:s7+$0x7680] =	vst v0  }
0x1f: {  	[spmem:s10] =	stream.linear.scatter [tilespmem:s24], [sflag:$0x3], $0xC00, $0x38;
	[tilespmem:$0x11EB0] =	vst v63  }
0x20: {  	_ =	swait.ge [sflag:s26], $0xC00  }
0x21: {  	[sflag:s26] =	ssyncset.done $0x0  }
0x22: {  	[sflag:s26] =	ssyncadd.s32 $0xFFFFF400  }
0x23: {  	[spmem:s12] =	stream.linear.scatter [tilespmem:s24], [sflag:$0x3], $0xC00, $0x38;
	[tilespmem:$0x11EB0] =	vst v63  }
0x24: {  	_ =	swait.ge [sflag:s26], $0xC00  }
0x25: {  	[sflag:s26] =	ssyncset.done $0x0  }
0x26: {  	[sflag:s26] =	ssyncadd.s32 $0xFFFFF400  }
0x27: {  	[spmem:s13] =	stream.linear.scatter [tilespmem:s24], [sflag:$0x3], $0xC00, $0x38;
	[tilespmem:$0x11EB0] =	vst v63  }
0x28: {  	_ =	swait.ge [sflag:s26], $0xC00  }
0x29: {  	[sflag:s26] =	ssyncset.done $0x0  }
0x2a: {  	[sflag:s26] =	ssyncadd.s32 $0xFFFFF400  }
0x2b: {  	[spmem:s14] =	stream.linear.scatter [tilespmem:s24], [sflag:$0x3], $0xC00, $0x38;
	[tilespmem:$0x11EB0] =	vst v63  }
0x2c: {  	_ =	swait.ge [sflag:s26], $0xC00  }
0x2d: {  	[sflag:s26] =	ssyncset.done $0x0  }
0x2e: {  	[sflag:s26] =	ssyncadd.s32 $0xFFFFF400  }
0x2f: {  	[spmem:s15] =	stream.linear.scatter [tilespmem:s24], [sflag:$0x3], $0xC00, $0x38;
	[tilespmem:$0x11EB0] =	vst v63  }
0x30: {  	_ =	swait.ge [sflag:s26], $0xC00  }
0x31: {  	[sflag:s26] =	ssyncset.done $0x0  }
0x32: {  	[sflag:s26] =	ssyncadd.s32 $0xFFFFF400  }
0x33: {  	[spmem:s16] =	stream.linear.scatter [tilespmem:s24], [sflag:$0x3], $0xC00, $0x38;
	[tilespmem:$0x11EB0] =	vst v63  }
0x34: {  	_ =	swait.ge [sflag:s26], $0xC00  }
0x35: {  	[sflag:s26] =	ssyncset.done $0x0  }
0x36: {  	[sflag:s26] =	ssyncadd.s32 $0xFFFFF400  }
0x37: {  	[spmem:s17] =	stream.linear.scatter [tilespmem:s24], [sflag:$0x3], $0xC00, $0x38;
	[tilespmem:$0x11EB0] =	vst v63  }
0x38: {  	_ =	swait.ge [sflag:s26], $0xC00  }
0x39: {  	[sflag:s26] =	ssyncset.done $0x0  }
0x3a: {  	[sflag:s26] =	ssyncadd.s32 $0xFFFFF400  }
0x3b: {  	[spmem:s18] =	stream.linear.scatter [tilespmem:s24], [sflag:$0x3], $0xC00, $0x38;
	[tilespmem:$0x11EB0] =	vst v63  }
0x3c: {  	_ =	swait.ge [sflag:s26], $0xC00  }
0x3d: {  	[sflag:s26] =	ssyncset.done $0x0  }
0x3e: {  	[sflag:s26] =	ssyncadd.s32 $0xFFFFF400  }
0x3f: {  	[spmem:s19] =	stream.linear.scatter [tilespmem:s24], [sflag:$0x3], $0xC00, $0x38;
	[tilespmem:$0x11EB0] =	vst v63  }
0x40: {  	_ =	swait.ge [sflag:s26], $0xC00  }
0x41: {  	[sflag:s26] =	ssyncset.done $0x0  }
0x42: {  	[sflag:s26] =	ssyncadd.s32 $0xFFFFF400  }
0x43: {  	[spmem:s20] =	stream.linear.scatter [tilespmem:s24], [sflag:$0x3], $0xC00, $0x38;
	[tilespmem:$0x11EB0] =	vst v63  }
0x44: {  	_ =	swait.ge [sflag:s26], $0xC00  }
0x45: {  	[sflag:s26] =	ssyncset.done $0x0  }
0x46: {  	[sflag:s26] =	ssyncadd.s32 $0xFFFFF400  }
0x47: {  	[spmem:s21] =	stream.linear.scatter [tilespmem:s24], [sflag:$0x3], $0xC00, $0x38;
	[tilespmem:$0x11EB0] =	vst v63  }
0x48: {  	_ =	swait.ge [sflag:s26], $0xC00  }
0x49: {  	[sflag:s26] =	ssyncset.done $0x0  }
0x4a: {  	[sflag:s26] =	ssyncadd.s32 $0xFFFFF400  }
0x4b: {  	[spmem:s22] =	stream.linear.scatter [tilespmem:s24], [sflag:$0x3], $0xC00, $0x38;
	[tilespmem:$0x11EB0] =	vst v63  }
0x4c: {  	_ =	swait.ge [sflag:s26], $0xC00  }
0x4d: {  	[sflag:s26] =	ssyncset.done $0x0  }
0x4e: {  	[sflag:s26] =	ssyncadd.s32 $0xFFFFF400  }
0x4f: {  	[spmem:s23] =	stream.linear.scatter [tilespmem:s24], [sflag:$0x3], $0xC00, $0x38;
	[tilespmem:$0x11EB0] =	vst v63  }
0x50: {  	_ =	swait.ge [sflag:s26], $0xC00  }
0x51: {  	[sflag:s26] =	ssyncset.done $0x0  }
0x52: {  	s6 =	simm.s32 @!p0 $0x7670;
	[sflag:s26] =	ssyncadd.s32 $0xFFFFF400  }
0x53: {  	[spmem:s5] =	stream.linear.scatter @!p0 [tilespmem:s6], [sflag:$0x3], $0x400, $0x38;
	[tilespmem:$0x11EB0] =	vst v63  }
0x54: {  	s6 =	simm.s32 @!p0 $0x3  }
0x55: {  	_ =	swait.ge @!p0 [sflag:s6], $0x400  }
0x56: {  	[sflag:s6] =	ssyncset.done @!p0 $0x0  }
0x57: {  	[sflag:s6] =	ssyncadd.s32 @!p0 $0xFFFFFC00  }
0x58: {  	[bflag:$0x0] =	sbarrier.arrive $0xFFFF  }
0x59: {  	s6 =	simm.s32 $0x0;
	s9 =	rddreg [dreg:$0x4]  }
0x5a: {  	[tilespmem:s6], [sflag:$0x3] =	stream.linear.gather [hbm4b:s9+s6], $0x2710, $0x38;
	[tilespmem:$0x11EB0] =	vst v63  }
0x5b: {  	_ =	swait.ge [sflag:s26], $0x2710  }
0x5c: {  	[sflag:s26] =	ssyncset.done $0x0  }
0x5d: {  	s8 =	simm.s32 $0x2710;
	s11 =	rddreg [dreg:$0x3];
	[sflag:s26] =	ssyncadd.s32 $0xFFFFD8F0  }
0x5e: {  	[tilespmem:s8], [sflag:$0x3] =	stream.linear.gather [hbm4b:s11+s6], $0x2710, $0x38;
	[tilespmem:$0x11EB0] =	vst v63  }
0x5f: {  	_ =	swait.ge [sflag:s26], $0x2710  }
0x60: {  	[sflag:s26] =	ssyncset.done $0x0  }
0x61: {  	[sflag:s26] =	ssyncadd.s32 $0xFFFFD8F0  }
0x62: {  	[tilespmem:s30], [sflag:$0x1] =	stream.indirect.gather [hbm4b:s4+s29], $0x40, s6, s29, $0xb8;
	[tilespmem:$0x11EB0] =	vst v63  }
0x63: {  	s8 =	simm.s32 $0x50  }
0x64: {  	[tilespmem:s31], [sflag:$0x2] =	stream.indirect.gather [hbm4b:s4+s29], $0x40, s8, s29, $0xb8;
	[tilespmem:$0x11EB0] =	vst v63  }
0x65: {  	_ =	swait.ge [sflag:s0], $0x1400  }
0x66: {  	[sflag:s0] =	ssyncset.done $0x0  }
0x67: {  	s9 =	simm.s32 $0x0;
	[sflag:s0] =	ssyncadd.s32 $0xFFFFEC00  }
0x68: {  	v1 =	vld [tilespmem:s9+$0x2710];
	_ =	sdelay $0x4  }
0x69: {  	[tilespmem:$0x4E20] =	vst v1  }
0x6a: {  	v1 =	vld [tilespmem:s9+$0x2720];
	_ =	sdelay $0x4  }
0x6b: {  	[tilespmem:$0x4E30] =	vst v1  }
0x6c: {  	v1 =	vld [tilespmem:s9+$0x2730];
	_ =	sdelay $0x4  }
0x6d: {  	[tilespmem:$0x4E40] =	vst v1  }
0x6e: {  	v1 =	vld [tilespmem:s9+$0x2740];
	_ =	sdelay $0x4  }
0x6f: {  	[tilespmem:$0x4E50] =	vst v1  }
0x70: {  	v1 =	vld [tilespmem:s9+$0x2750];
	_ =	sdelay $0x4  }
0x71: {  	[tilespmem:$0x4E60] =	vst v1  }
0x72: {  	[spmem:s2] =	stream.indirect.scatter.add.f32 [tilespmem:s30], [sflag:$0x3], $0x40, s28, s29, $0xb8;
	[tilespmem:$0x11EB0] =	vst v63  }
0x73: {  	_ =	swait.ge [sflag:s26], $0x1400  }
0x74: {  	[sflag:s26] =	ssyncset.done $0x0  }
0x75: {  	s11 =	simm.s32 $0xA0;
	[sflag:s26] =	ssyncadd.s32 $0xFFFFEC00  }
0x76: {  	[tilespmem:s30], [sflag:$0x1] =	stream.indirect.gather [hbm4b:s4+s29], $0x40, s11, s29, $0xb8;
	[tilespmem:$0x11EB0] =	vst v63  }
0x77: {  	_ =	swait.ge [sflag:s1], $0x1400  }
0x78: {  	[sflag:s1] =	ssyncset.done $0x0  }
0x79: {  	[sflag:s1] =	ssyncadd.s32 $0xFFFFEC00  }
0x7a: {  	v1 =	vld [tilespmem:s9+$0x2760];
	_ =	sdelay $0x4  }
0x7b: {  	[tilespmem:$0x4E20] =	vst v1  }
0x7c: {  	v1 =	vld [tilespmem:s9+$0x2770];
	_ =	sdelay $0x4  }
0x7d: {  	[tilespmem:$0x4E30] =	vst v1  }
0x7e: {  	v1 =	vld [tilespmem:s9+$0x2780];
	_ =	sdelay $0x4  }
0x7f: {  	[tilespmem:$0x4E40] =	vst v1  }
0x80: {  	v1 =	vld [tilespmem:s9+$0x2790];
	_ =	sdelay $0x4  }
0x81: {  	[tilespmem:$0x4E50] =	vst v1  }
0x82: {  	v1 =	vld [tilespmem:s9+$0x27A0];
	_ =	sdelay $0x4  }
0x83: {  	[tilespmem:$0x4E60] =	vst v1  }
0x84: {  	[spmem:s2] =	stream.indirect.scatter.add.f32 [tilespmem:s31], [sflag:$0x3], $0x40, s28, s29, $0xb8;
	[tilespmem:$0x11EB0] =	vst v63  }
0x85: {  	_ =	swait.ge [sflag:s26], $0x1400  }
0x86: {  	s7 =	simm.s32 $0xA0;
	s8 =	simm.s32 $0x500;
	[sflag:s26] =	ssyncset.done $0x0  }
.LBB2_4:
0x87: {  	s11 =	sadd.s32 $0x50, s7  }
0x88: {  	[sflag:s26] =	ssyncadd.s32 $0xFFFFEC00;
	s9 =	smov.u32 s8;
	s6 =	sadd.s32 $0x280, s8  }
0x89: {  	[tilespmem:s31], [sflag:$0x2] =	stream.indirect.gather [hbm4b:s4+s29], $0x40, s11, s29, $0xb8;
	[tilespmem:$0x11EB0] =	vst v63  }
0x8a: {  	p1 =	sne.s32 s8, $0x9880;
	_ =	swait.ge [sflag:s0], $0x1400  }
0x8b: {  	[sflag:s0] =	ssyncset.done $0x0  }
0x8c: {  	[sflag:s0] =	ssyncadd.s32 $0xFFFFEC00  }
0x8d: {  	v1 =	vld [tilespmem:s7+$0x2710];
	_ =	sdelay $0x4  }
0x8e: {  	[tilespmem:$0x4E20] =	vst v1  }
0x8f: {  	v1 =	vld [tilespmem:s7+$0x2720];
	_ =	sdelay $0x4  }
0x90: {  	[tilespmem:$0x4E30] =	vst v1  }
0x91: {  	v1 =	vld [tilespmem:s7+$0x2730];
	_ =	sdelay $0x4  }
0x92: {  	[tilespmem:$0x4E40] =	vst v1  }
0x93: {  	v1 =	vld [tilespmem:s7+$0x2740];
	_ =	sdelay $0x4  }
0x94: {  	[tilespmem:$0x4E50] =	vst v1  }
0x95: {  	v1 =	vld [tilespmem:s7+$0x2750];
	_ =	sdelay $0x4  }
0x96: {  	[tilespmem:$0x4E60] =	vst v1  }
0x97: {  	[spmem:s2] =	stream.indirect.scatter.add.f32 [tilespmem:s30], [sflag:$0x3], $0x40, s28, s29, $0xb8;
	[tilespmem:$0x11EB0] =	vst v63  }
0x98: {  	_ =	swait.ge [sflag:s26], $0x1400  }
0x99: {  	[sflag:s26] =	ssyncset.done $0x0  }
0x9a: {  	s8 =	sadd.s32 $0xA0, s7;
	[sflag:s26] =	ssyncadd.s32 $0xFFFFEC00  }
0x9b: {  	[tilespmem:s30], [sflag:$0x1] =	stream.indirect.gather [hbm4b:s4+s29], $0x40, s8, s29, $0xb8;
	[tilespmem:$0x11EB0] =	vst v63  }
0x9c: {  	_ =	swait.ge [sflag:s1], $0x1400  }
0x9d: {  	[sflag:s1] =	ssyncset.done $0x0  }
0x9e: {  	[sflag:s1] =	ssyncadd.s32 $0xFFFFEC00  }
0x9f: {  	v1 =	vld [tilespmem:s7+$0x2760];
	_ =	sdelay $0x4  }
0xa0: {  	[tilespmem:$0x4E20] =	vst v1  }
0xa1: {  	v1 =	vld [tilespmem:s7+$0x2770];
	_ =	sdelay $0x4  }
0xa2: {  	[tilespmem:$0x4E30] =	vst v1  }
0xa3: {  	v1 =	vld [tilespmem:s7+$0x2780];
	_ =	sdelay $0x4  }
0xa4: {  	[tilespmem:$0x4E40] =	vst v1  }
0xa5: {  	v1 =	vld [tilespmem:s7+$0x2790];
	_ =	sdelay $0x4  }
0xa6: {  	[tilespmem:$0x4E50] =	vst v1  }
0xa7: {  	v1 =	vld [tilespmem:s7+$0x27A0];
	_ =	sdelay $0x3  }
.Ltmp1:
0xa8: {  	(pc) =	sbr.rel @p1 .LBB2_4-.Ltmp1, $4  }
0xa9: {  	[tilespmem:$0x4E60] =	vst v1  }
0xaa: {  	[spmem:s2] =	stream.indirect.scatter.add.f32 [tilespmem:s31], [sflag:$0x3], $0x40, s28, s29, $0xb8;
	[tilespmem:$0x11EB0] =	vst v63  }
0xab: {  	_ =	swait.ge [sflag:s26], $0x1400  }
0xac: {  	s8 =	smov.u32 s6;
	s7 =	sshra.s32 s9, $0x2;
	[sflag:s26] =	ssyncset.done $0x0  }
0xad: {  	s6 =	sadd.s32 $0x50, s7;
	[sflag:s26] =	ssyncadd.s32 $0xFFFFEC00  }
0xae: {  	[tilespmem:s31], [sflag:$0x2] =	stream.indirect.gather [hbm4b:s4+s29], $0x40, s6, s29, $0xb8;
	[tilespmem:$0x11EB0] =	vst v63  }
0xaf: {  	_ =	swait.ge [sflag:s0], $0x1400  }
0xb0: {  	[sflag:s0] =	ssyncset.done $0x0  }
0xb1: {  	[sflag:s0] =	ssyncadd.s32 $0xFFFFEC00  }
0xb2: {  	v1 =	vld [tilespmem:s7+$0x2710];
	_ =	sdelay $0x4  }
0xb3: {  	[tilespmem:$0x4E20] =	vst v1  }
0xb4: {  	v1 =	vld [tilespmem:s7+$0x2720];
	_ =	sdelay $0x4  }
0xb5: {  	[tilespmem:$0x4E30] =	vst v1  }
0xb6: {  	v1 =	vld [tilespmem:s7+$0x2730];
	_ =	sdelay $0x4  }
0xb7: {  	[tilespmem:$0x4E40] =	vst v1  }
0xb8: {  	v1 =	vld [tilespmem:s7+$0x2740];
	_ =	sdelay $0x4  }
0xb9: {  	[tilespmem:$0x4E50] =	vst v1  }
0xba: {  	v1 =	vld [tilespmem:s7+$0x2750];
	_ =	sdelay $0x4  }
0xbb: {  	[tilespmem:$0x4E60] =	vst v1  }
0xbc: {  	[spmem:s2] =	stream.indirect.scatter.add.f32 [tilespmem:s30], [sflag:$0x3], $0x40, s28, s29, $0xb8;
	[tilespmem:$0x11EB0] =	vst v63  }
0xbd: {  	_ =	swait.ge [sflag:s26], $0x1400  }
0xbe: {  	[sflag:s26] =	ssyncset.done $0x0  }
0xbf: {  	s11 =	sadd.s32 $0xA0, s7;
	[sflag:s26] =	ssyncadd.s32 $0xFFFFEC00  }
0xc0: {  	[tilespmem:s30], [sflag:$0x1] =	stream.indirect.gather [hbm4b:s4+s29], $0x40, s11, s29, $0xb8;
	[tilespmem:$0x11EB0] =	vst v63  }
0xc1: {  	_ =	swait.ge [sflag:s1], $0x1400  }
0xc2: {  	[sflag:s1] =	ssyncset.done $0x0  }
0xc3: {  	[sflag:s1] =	ssyncadd.s32 $0xFFFFEC00  }
0xc4: {  	v1 =	vld [tilespmem:s7+$0x2760];
	_ =	sdelay $0x4  }
0xc5: {  	[tilespmem:$0x4E20] =	vst v1  }
0xc6: {  	v1 =	vld [tilespmem:s7+$0x2770];
	_ =	sdelay $0x4  }
0xc7: {  	[tilespmem:$0x4E30] =	vst v1  }
0xc8: {  	v1 =	vld [tilespmem:s7+$0x2780];
	_ =	sdelay $0x4  }
0xc9: {  	[tilespmem:$0x4E40] =	vst v1  }
0xca: {  	v1 =	vld [tilespmem:s7+$0x2790];
	_ =	sdelay $0x4  }
0xcb: {  	[tilespmem:$0x4E50] =	vst v1  }
0xcc: {  	v1 =	vld [tilespmem:s7+$0x27A0];
	_ =	sdelay $0x4  }
0xcd: {  	[tilespmem:$0x4E60] =	vst v1  }
0xce: {  	[spmem:s2] =	stream.indirect.scatter.add.f32 [tilespmem:s31], [sflag:$0x3], $0x40, s28, s29, $0xb8;
	[tilespmem:$0x11EB0] =	vst v63  }
0xcf: {  	_ =	swait.ge [sflag:s26], $0x1400  }
0xd0: {  	[sflag:s26] =	ssyncset.done $0x0  }
0xd1: {  	[sflag:s26] =	ssyncadd.s32 $0xFFFFEC00  }
0xd2: {  	_ =	swait.ge [sflag:s0], $0x1400  }
0xd3: {  	[sflag:s0] =	ssyncset.done $0x0  }
0xd4: {  	[sflag:s0] =	ssyncadd.s32 $0xFFFFEC00  }
0xd5: {  	v1 =	vld [tilespmem:$0x4DD0]  }
0xd6: {  	v2 =	vld [tilespmem:$0x4DE0]  }
0xd7: {  	v3 =	vld [tilespmem:$0x4DF0]  }
0xd8: {  	v4 =	vld [tilespmem:$0x4E00]  }
0xd9: {  	v5 =	vld [tilespmem:$0x4E10]  }
0xda: {  	[tilespmem:$0x4E20] =	vst v1  }
0xdb: {  	[tilespmem:$0x4E30] =	vst v2  }
0xdc: {  	[tilespmem:$0x4E40] =	vst v3  }
0xdd: {  	[tilespmem:$0x4E50] =	vst v4  }
0xde: {  	[tilespmem:$0x4E60] =	vst v5  }
0xdf: {  	[spmem:s2] =	stream.indirect.scatter.add.f32 [tilespmem:s30], [sflag:$0x3], $0x40, s28, s29, $0xb8;
	[tilespmem:$0x11EB0] =	vst v63  }
0xe0: {  	_ =	swait.ge [sflag:s26], $0x1400  }
0xe1: {  	[sflag:s26] =	ssyncset.done $0x0  }
0xe2: {  	s8 =	stileid.u32;
	[sflag:s26] =	ssyncadd.s32 $0xFFFFEC00  }
0xe3: {  	s6 =	sshll.u32 s8, $0x6;
	[bflag:$0x0] =	sbarrier.arrive $0xFFFF  }
0xe4: {  	s6 =	sor.u32 $0x1C03, s6;
	s9 =	rddreg [dreg:$0x5]  }
0xe5: {  	[hbm:s9], [sflag:s6] =	dma.local [spmem:s25], $0x1380  }
0xe6: {  	_ =	swait.ge [sflag:s26], $0x1380  }
0xe7: {  	[sflag:s26] =	ssyncset.done $0x0  }
0xe8: {  	s7 =	sshrl.u32 @!p0 s5, $0x3;
	s8 =	rddreg [dreg:$0x6];
	[sflag:s26] =	ssyncadd.s32 $0xFFFFEC80  }
0xe9: {  	[hbm:s8], [sflag:s6] =	dma.local @!p0 [spmem:s7], $0x80  }
0xea: {  	s6 =	simm.s32 @!p0 $0x3  }
0xeb: {  	_ =	swait.ge @!p0 [sflag:s6], $0x80  }
0xec: {  	s3 =	sadd.s32 $0x1, s3;
	s11 =	rddreg [dreg:$0x7]  }
0xed: {  	p1 =	sne.s32 s3, s11  }
.Ltmp2:
0xee: {  	_ = 	snop;
	(pc) =	sbr.rel @p1 .LBB2_1-.Ltmp2, $3  }
0xef: {  	_ =	sdelay $0x1  }
0xf0: {  	[sflag:s6] =	ssyncset.done @!p0 $0x0  }
0xf1: {  	[sflag:s6] =	ssyncadd.s32 @!p0 $0xFFFFFF80  }
0xf2: {  	_ =	sfence.sel $0x180000  }
0xf3: {  	[bflag:$0x0] =	sbarrier.arrive $0xFFFF  }
0xf4: {  	_ =	strace $0x9000004A  }
0xf5: {  	s0 =	stileid.u32;
	[bflag:$0x2] =	sbarrier.arrive $0xFFFF  }
0xf6: {  	p0 =	sne.s32 s0, $0x0;
	s0 =	rddreg [dreg:$0x2]  }
0xf7: {  	s0 =	sadd.s32 @!p0 $0x100000, s0  }
0xf8: {  	[sflag:s0] =	ssyncadd.tile.s32 @!p0 $0x1;
	_ =	shalt  }
.Lfunc_end2:
_tile_overlayer_lowered:
.L_overlay_start_2:
0xf9: {  	(tag) =	ssettag $0x2  }
0xfa: {  	s0 =	rddreg [dreg:$0x0];
	s2 =	stileid.u32  }
0xfb: {  	s1 =	rddreg [dreg:$0x1];
	p0 =	sne.s32 s2, $0x0  }
0xfc: {  	s3 =	rddreg [dreg:$0x2];
	[bflag:$0x3] =	sbarrier.arrive $0xFFFF;
	s2 =	simm.s32 @!p0 $0x1C03  }
0xfd: {  	[timem:s3], [sflag:s2] =	dma.local @!p0 [hbm:s0], s1  }
0xfe: {  	s0 =	simm.s32 @!p0 $0x3  }
0xff: {  	_ =	swait.ge @!p0 [sflag:s0], s1  }
0x100: {  	s1 =	ssub.s32 @!p0 $0x0, s1;
	[sflag:s0] =	ssyncset.done @!p0 $0x0  }
0x101: {  	[sflag:s0] =	ssyncadd.s32 @!p0 s1  }
0x102: {  	[bflag:$0x3] =	sbarrier.arrive $0xFFFF  }
0x103: {  	_ =	shalt  }

// kernel: kernel.7.cloned.1.call-start
scs
__scs_entry_jumppad:
0x0: {  	(pc) =	sbr.rel $0x88, $3  }
0x1: {  	(tag) =	ssettag $0x0;
	lr =	simm.s32 $0x1  }
0x2: {  	[smem:$0x3F97] =	sst lr;
	_ =	strace $0xD0000000  }
0x3: {  	_ = 	snop  }
0x4: {  	_ = 	snop  }
0x5: {  	_ = 	snop  }
0x6: {  	_ = 	snop  }
0x7: {  	_ = 	snop  }
__scs_overlays_trampoline_lowered:
0x8: {  	[smem:$0x3FA6] =	sst s0  }
0x9: {  	[smem:$0x3FA7] =	sst s1  }
0xa: {  	[smem:$0x3FA8] =	sst s2  }
0xb: {  	[smem:$0x3FA9] =	sst s3  }
0xc: {  	[smem:$0x3FAA] =	sst s4  }
0xd: {  	[smem:$0x3FAB] =	sst s5  }
0xe: {  	[smem:$0x3FAC] =	sst s6  }
0xf: {  	[smem:$0x3FAD] =	sst s7  }
0x10: {  	[smem:$0x3FAE] =	sst s8  }
0x11: {  	[smem:$0x3FAF] =	sst s9;
	s0 =	simm.s32 @!p0 $0x0  }
0x12: {  	s1 =	sld [smem:$0x3F95];
	s0 =	simm.s32 @p0 $0x1  }
0x13: {  	[smem:$0x3FB0] =	sst s0;
	s0 =	simm.s32 @!p1 $0x0  }
0x14: {  	s2 =	sld [smem:$0x3F94];
	s0 =	simm.s32 @p1 $0x1  }
0x15: {  	[smem:$0x3FB1] =	sst s0;
	s0 =	simm.s32 @!p2 $0x0  }
0x16: {  	s3 =	sld [smem:$0x3FDB];
	s0 =	simm.s32 @p2 $0x1  }
0x17: {  	s4 =	simm.s32 $0x1BF5;
	[smem:$0x3FB3] =	sst s0  }
0x18: {  	s0 =	sld [smem:$0x3F96];
	_ =	swait.ge [sflag:s4], $0x0  }
0x19: {  	s7 =	sld [smem:$0x3F97]  }
0x1a: {  	s8 =	sadd.s32 $0xFFFFE003, lr  }
0x1b: {  	s9 =	sadd.s32 $0xFFFFFEF7, lr;
	s5 =	simm.s32 $0xFFFFFFFF;
	p2 =	slt.u32 s8, $0xFFFFF086  }
0x1c: {  	p1 =	slt.u32 s9, $0xF7A;
	s5 =	simm.s32 @!p2 $0x0  }
0x1d: {  	s5 =	simm.s32 @p1 $0x1;
	p0 =	seq.s32 s7, s2  }
0x1e: {  	s7 =	smul.u32 @!p0 $0xF7A, s2;
	p2 =	seq.s32 @!p0 s5, $0x0  }
0x1f: {  	s9 =	smul.u32 $0xF7A, s1;
	s8 =	simm.s32 @!p0 $0x1BF5;
	p2 =	por !p2, p0  }
0x20: {  	[sflag:s8] =	ssyncset.s32 @!p0 $0xFFFFF086;
	s6 =	sadd.s32 @!p0 s3, s7;
	s7 =	simm.s32 @!p0 $0x108  }
0x21: {  	s3 =	sadd.s32 s3, s9;
	s6 =	sadd.s32 @!p0 $0x88, s6;
	s7 =	simm.s32 @p2 $0x1082  }
0x22: {  	[simem:s7], [sflag:s8] =	dma.local @!p0 [hbm:s6], $0xF7A  }
0x23: {  	s9 =	sor.u32 $0xD0000000, s2;
	s6 =	simm.s32 $0x108;
	_ =	swait.ge @!p0 [sflag:s8], $0x0  }
0x24: {  	s3 =	sadd.s32 $0x88, s3;
	s6 =	simm.s32 @!p1 $0x1082;
	[sflag:s4] =	ssyncset.s32 $0xFFFFF086  }
0x25: {  	[simem:s6], [sflag:s4] =	dma.local [hbm:s3], $0xF7A  }
0x26: {  	[smem:$0x3F97] =	sst s1;
	(tag) =	ssettag s2;
	_ =	strace s9  }
0x27: {  	s1 =	sld [smem:$0x3FA7]  }
0x28: {  	s2 =	sld [smem:$0x3FA8]  }
0x29: {  	s4 =	sld [smem:$0x3FAA]  }
0x2a: {  	p0 =	seq.s32 s5, $0x0;
	s5 =	sld [smem:$0x3FAB]  }
0x2b: {  	s6 =	sld [smem:$0x3FAC]  }
0x2c: {  	s7 =	sld [smem:$0x3FAD]  }
0x2d: {  	s3 =	simm.s32 $0x108;
	s8 =	sld [smem:$0x3FAE]  }
0x2e: {  	s3 =	simm.s32 @!p0 $0x1082;
	s9 =	sld [smem:$0x3FAF]  }
0x2f: {  	lr =	sadd.s32 s0, s3;
	s0 =	sld [smem:$0x3FA6]  }
0x30: {  	s3 =	sld [smem:$0x3FA9]  }
0x31: {  	[smem:$0x3FB2] =	sst s10  }
0x32: {  	s10 =	sld [smem:$0x3FB0];
	_ =	sdelay $0x3  }
0x33: {  	p0 =	seq.s32 s10, $0x1;
	s10 =	sld [smem:$0x3FB2];
	_ =	sdelay $0x3  }
0x34: {  	[smem:$0x3FB2] =	sst s10  }
0x35: {  	s10 =	sld [smem:$0x3FB1];
	_ =	sdelay $0x3  }
0x36: {  	p1 =	seq.s32 s10, $0x1;
	s10 =	sld [smem:$0x3FB2];
	_ =	sdelay $0x3  }
0x37: {  	[smem:$0x3FB2] =	sst s10  }
0x38: {  	s10 =	sld [smem:$0x3FB3]  }
0x39: {  	_ = 	snop;
	(pc) =	sbr.ind lr, $3  }
0x3a: {  	_ = 	snop  }
0x3b: {  	_ = 	snop  }
0x3c: {  	p2 =	seq.s32 s10, $0x1;
	s10 =	sld [smem:$0x3FB2]  }
0x3d: {  	_ =	shalt  }
0x3e: {  	_ =	shalt  }
0x3f: {  	_ =	shalt  }
0x40: {  	_ =	shalt  }
0x41: {  	_ =	shalt  }
0x42: {  	_ =	shalt  }
0x43: {  	_ =	shalt  }
0x44: {  	_ =	shalt  }
0x45: {  	_ =	shalt  }
0x46: {  	_ =	shalt  }
0x47: {  	_ =	shalt  }
0x48: {  	_ =	shalt  }
0x49: {  	_ =	shalt  }
0x4a: {  	_ =	shalt  }
0x4b: {  	_ =	shalt  }
0x4c: {  	_ =	shalt  }
0x4d: {  	_ =	shalt  }
0x4e: {  	_ =	shalt  }
0x4f: {  	_ =	shalt  }
0x50: {  	_ =	shalt  }
0x51: {  	_ =	shalt  }
0x52: {  	_ =	shalt  }
0x53: {  	_ =	shalt  }
0x54: {  	_ =	shalt  }
0x55: {  	_ =	shalt  }
0x56: {  	_ =	shalt  }
0x57: {  	_ =	shalt  }
0x58: {  	_ =	shalt  }
0x59: {  	_ =	shalt  }
0x5a: {  	_ =	shalt  }
0x5b: {  	_ =	shalt  }
0x5c: {  	_ =	shalt  }
0x5d: {  	_ =	shalt  }
0x5e: {  	_ =	shalt  }
0x5f: {  	_ =	shalt  }
0x60: {  	_ =	shalt  }
0x61: {  	_ =	shalt  }
0x62: {  	_ =	shalt  }
0x63: {  	_ =	shalt  }
0x64: {  	_ =	shalt  }
0x65: {  	_ =	shalt  }
0x66: {  	_ =	shalt  }
0x67: {  	_ =	shalt  }
0x68: {  	_ =	shalt  }
0x69: {  	_ =	shalt  }
0x6a: {  	_ =	shalt  }
0x6b: {  	_ =	shalt  }
0x6c: {  	_ =	shalt  }
0x6d: {  	_ =	shalt  }
0x6e: {  	_ =	shalt  }
0x6f: {  	_ =	shalt  }
0x70: {  	_ =	shalt  }
0x71: {  	_ =	shalt  }
0x72: {  	_ =	shalt  }
0x73: {  	_ =	shalt  }
0x74: {  	_ =	shalt  }
0x75: {  	_ =	shalt  }
0x76: {  	_ =	shalt  }
0x77: {  	_ =	shalt  }
0x78: {  	_ =	shalt  }
0x79: {  	_ =	shalt  }
0x7a: {  	_ =	shalt  }
0x7b: {  	_ =	shalt  }
0x7c: {  	_ =	shalt  }
0x7d: {  	_ =	shalt  }
0x7e: {  	_ =	shalt  }
0x7f: {  	_ =	shalt  }
0x80: {  	_ =	shalt  }
0x81: {  	_ =	shalt  }
0x82: {  	_ =	shalt  }
0x83: {  	_ =	shalt  }
0x84: {  	_ =	shalt  }
0x85: {  	_ =	shalt  }
0x86: {  	_ =	shalt  }
0x87: {  	_ =	shalt  }
.Lfunc_end0:
.L_simem_size_0:
called_computation_lowered:
.L_overlay_start_0:
0x88: {  	s2 =	sld [smem:$0x3FD9]  }
0x89: {  	s3 =	sld [smem:$0x3FFE];
	_ =	sdelay $0x1  }
0x8a: {  	s1 =	srdreg.scid  }
0x8b: {  	s0 =	sand.u32 $0x1, s1  }
0x8c: {  	s16 =	sshll.u32 s0, $0xA;
	s2 =	sadd.s32 s3, s2  }
0x8d: {  	s2 =	sadd.s32 s2, s16  }
0x8e: {  	[smem:$0x3FBE] =	sst s2  }
0x8f: {  	_ = 	snop  }
0x90: {  	(tm) =	ssettm $0x1  }
0x91: {  	s17 =	sld [smem:$0x3FFB];
	_ =	sdelay $0x3  }
0x92: {  	_ =	strace s17  }
0x93: {  	s2 =	sld [smem:$0x3FFC];
	_ =	sdelay $0x3  }
0x94: {  	_ =	strace s2  }
0x95: {  	s2 =	sld [smem:$0x3FFD];
	_ =	sdelay $0x3  }
0x96: {  	_ =	strace s2  }
0x97: {  	_ =	strace $0x8FFFFFFF  }
0x98: {  	s18 =	sld [smem:$0x3FDB];
	_ =	sdelay $0x1  }
0x99: {  	s19 =	simm.s32 $_scs_section_size  }
0x9a: {  	s4 =	simm.s32 $_size__tile_overlayer_lowered;
	s5 =	simm.s32 $_tile_overlayer_lowered  }
0x9b: {  	s22 =	simm.s32 $0x1BFF;
	s21 =	sshll.u32 s5, $0x1;
	s2 =	sadd.s32 s19, s18  }
0x9c: {  	s6 =	simm.s32 $0x0;
	s20 =	sshll.u32 s4, $0x1;
	s4 =	sadd.s32 s21, s2  }
0x9d: {  	[timem:s6], [sflag:s22] =	dma.local [hbm:s4], s20  }
0x9e: {  	_ =	swait.ge [sflag:s22], s20  }
0x9f: {  	s3 =	ssub.s32 $0x0, s20;
	[sflag:s22] =	ssyncset.done $0x0  }
0xa0: {  	[sflag:s22] =	ssyncadd.s32 s3;
	_ =	sdelay $0x1  }
0xa1: {  	s23 =	simm.s32 $0x1B8B  }
0xa2: {  	_ =	swait.ge [sflag:s23], $0x1  }
0xa3: {  	[sflag:s23] =	ssyncset.done $0x0  }
0xa4: {  	s25 =	simm.s32 $0x1B8E;
	s24 =	sld [smem:$0x3FFE];
	[sflag:s23] =	ssyncadd.s32 $0xFFFFFFFF  }
0xa5: {  	s26 =	simm.s32 $execute0_lowered;
	[smem:$0x3FD2] =	sst s25  }
0xa6: {  	s4 =	sshll.u32 s26, $0x1;
	_ =	strace $0x80000046;
	[dreg:$0x1] =	wrdreg $0xFFFFFFFF  }
0xa7: {  	s28 =	simm.s32 $_size_execute0_lowered;
	s2 =	sadd.s32 s2, s4;
	[dreg:$0x0] =	wrdreg $0x0  }
0xa8: {  	s4 =	sshll.u32 s28, $0x1;
	[dreg:$0x2] =	wrdreg s2  }
0xa9: {  	[dreg:$0x3] =	wrdreg s4  }
0xaa: {  	[dreg:$0x4] =	wrdreg $0xC0  }
0xab: {  	_ =	task [dreg:s6], $0x5FFFF  }
0xac: {  	[dreg:$0x1] =	wrdreg $0xFFFFFFFF  }
0xad: {  	[dreg:$0x0] =	wrdreg $0x60  }
0xae: {  	[dreg:$0x2] =	wrdreg s24  }
0xaf: {  	[dreg:$0x3] =	wrdreg $0xB7800  }
0xb0: {  	[dreg:$0x4] =	wrdreg $0x9  }
0xb1: {  	_ =	task.clear_ibuf [dreg:s6], $0x5FFFF;
	_ =	strace $0x90000046  }
0xb2: {  	s29 =	simm.s32 $0x9;
	_ =	strace $0x80000048  }
0xb3: {  	_ =	swait.ge [sflag:s29], $0x1  }
0xb4: {  	[sflag:s29] =	ssyncadd.s32 $0xFFFFFFFF  }
0xb5: {  	_ =	strace $0x90000048  }
0xb6: {  	_ =	sfence  }
0xb7: {  	s30 =	sld [smem:$0x0];
	_ =	sdelay $0x2  }
0xb8: {  	s31 =	sshll.u32 s1, $0xD;
	s1 =	sshrl.u32 s1, $0x2  }
0xb9: {  	s3 =	sand.u32 $0x4000, s31;
	s1 =	sadd.s32 s1, s30  }
0xba: {  	s0 =	sor.u32 s3, s0;
	s1 =	sshll.u32 s1, $0x11  }
0xbb: {  	s0 =	sor.u32 s1, s0  }
0xbc: {  	s0 =	sadd.s32 $0x8F2B, s0  }
0xbd: {  	[sflag:s0] =	ssyncadd.remote.s32 $0x1  }
0xbe: {  	_ =	sfence.sel $0xFFFF  }
0xbf: {  	[dreg:$0x0] =	wrdreg $0xFFFFFFFF;
	(pc) =	sbr.abs _section_cstart, $3  }
0xc0: {  	[dreg:$0x1] =	wrdreg $0xFFFFFFFF  }
0xc1: {  	_ =	task.clear_ibuf [dreg:s6], $0x2FFFF;
	_ =	strace $0x9FFFFFFF  }
0xc2: {  	(tm) =	ssettm $0x7FFFFFFF  }
0xc3: {  	_ =	shalt  }
tec
execute0_lowered:
.L_overlay_start_1:
0x0: {  	(tag) =	ssettag $0x1  }
0x1: {  	s0 =	rddreg [dreg:$0x0]  }
0x2: {  	s1 =	rddreg [dreg:$0x1]  }
0x3: {  	s2 =	srdreg.scid;
	s3 =	simm.s32 $0x0;
	s10 =	stileid.u32  }
0x4: {  	s28 =	simm.s32 $0x50;
	s29 =	simm.s32 $0x4F80;
	s30 =	simm.s32 $0x7780  }
0x5: {  	s31 =	simm.s32 $0x1;
	s2 =	sand.u32 $0x1, s2;
	s9 =	smul.u32 $0x13800, s10  }
0x6: {  	[smem:$0x7FF] =	sst s3;
	s7 =	sadd.s32 $0x3AE00, s0;
	s24 =	smul.u32 $0x4E000, s10  }
0x7: {  	p0 =	sne.s32 s10, $0xF;
	s4 =	sshll.u32 s2, $0x4;
	_ =	strace $0x80000047  }
0x8: {  	s6 =	ssub.s32 $0x2, s2;
	s2 =	smul.u32 $0x138800, s2;
	s4 =	sor.u32 s10, s4  }
0x9: {  	s8 =	sshrl.u32 s6, $0x1;
	s5 =	smul.u32 $0x4E2, s4;
	s4 =	sadd.s32 $0x13C00, s0  }
0xa: {  	s8 =	ssub.s32 s6, s8;
	s9 =	sadd.s32 s9, s2;
	s2 =	sshrl.u32 s2, $0x3  }
0xb: {  	s6 =	sadd.s32 $0x138000, s1;
	s9 =	sshrl.u32 s9, $0x3;
	s26 =	sadd.s32 s7, s2  }
0xc: {  	s11 =	smax.u32 s8, $0x1;
	s5 =	sadd.s32 s0, s5;
	s0 =	sshrl.u32 s24, $0x2  }
0xd: {  	s25 =	sadd.s32 s7, s9;
	s24 =	simm.s32 $0x9F80;
	[dreg:$0x3] =	wrdreg s5  }
0xe: {  	s5 =	sadd.s32 $0x9E00, s5;
	[dreg:$0x5] =	wrdreg s25;
	s9 =	sadd.s32 s0, s1  }
0xf: {  	s0 =	sadd.s32 $0x27000, s26;
	s25 =	simm.s32 $0x3;
	[dreg:$0x4] =	wrdreg s5  }
0x10: {  	s26 =	simm.s32 $0x2;
	[dreg:$0x6] =	wrdreg s0;
	s12 =	sadd.s32 $0x1800, s9  }
0x11: {  	s13 =	sadd.s32 $0x3000, s9;
	s14 =	sadd.s32 $0x4800, s9;
	s15 =	sadd.s32 $0x6000, s9  }
0x12: {  	s16 =	sadd.s32 $0x7800, s9;
	s17 =	sadd.s32 $0x9000, s9;
	s18 =	sadd.s32 $0xA800, s9  }
0x13: {  	s19 =	sadd.s32 $0xC000, s9;
	s20 =	sadd.s32 $0xD800, s9;
	s21 =	sadd.s32 $0xF000, s9  }
0x14: {  	v0 =	vimm.f32 $0.0e+00;
	s22 =	sadd.s32 $0x10800, s9;
	s23 =	sadd.s32 $0x12000, s9;
	s0 =	simm.s32 $0x4F00  }
.LBB2_1:
0x15: {  	s2 =	simm.s32 $0x70;
	s7 =	simm.s32 $0x3C0  }
.LBB2_2:
0x16: {  	p1 =	sne.s32 s7, $0x5FC0;
	[tilespmem:s2+$0x9F80] =	vst v0  }
0x17: {  	[tilespmem:s2+$0x9F10] =	vst v0  }
0x18: {  	[tilespmem:s2+$0x9F20] =	vst v0  }
.Ltmp0:
0x19: {  	[tilespmem:s2+$0x9F30] =	vst v0;
	(pc) =	sbr.rel @p1 .LBB2_2-.Ltmp0, $4  }
0x1a: {  	[tilespmem:s2+$0x9F40] =	vst v0  }
0x1b: {  	[tilespmem:s2+$0x9F50] =	vst v0  }
0x1c: {  	[tilespmem:s2+$0x9F60] =	vst v0  }
0x1d: {  	[tilespmem:s2+$0x9F70] =	vst v0;
	s2 =	sshra.s32 s7, $0x2;
	s7 =	sadd.s32 $0x200, s7  }
0x1e: {  	[tilespmem:s2+$0x9F80] =	vst v0  }
0x1f: {  	[tilespmem:s2+$0x9F10] =	vst v0  }
0x20: {  	[tilespmem:s2+$0x9F20] =	vst v0  }
0x21: {  	[tilespmem:s2+$0x9F30] =	vst v0  }
0x22: {  	[tilespmem:s2+$0x9F40] =	vst v0  }
0x23: {  	[tilespmem:s2+$0x9F50] =	vst v0  }
0x24: {  	[tilespmem:s2+$0x9F60] =	vst v0  }
0x25: {  	[tilespmem:s2+$0x9F70] =	vst v0  }
0x26: {  	[spmem:s9] =	stream.linear.scatter [tilespmem:s24], [sflag:$0x3], $0x1800, $0x38;
	[tilespmem:$0x1F000] =	vst v63  }
0x27: {  	_ =	swait.ge [sflag:s25], $0x1800  }
0x28: {  	[sflag:s25] =	ssyncset.done $0x0  }
0x29: {  	[sflag:s25] =	ssyncadd.s32 $0xFFFFE800  }
0x2a: {  	[spmem:s12] =	stream.linear.scatter [tilespmem:s24], [sflag:$0x3], $0x1800, $0x38;
	[tilespmem:$0x1F000] =	vst v63  }
0x2b: {  	_ =	swait.ge [sflag:s25], $0x1800  }
0x2c: {  	[sflag:s25] =	ssyncset.done $0x0  }
0x2d: {  	[sflag:s25] =	ssyncadd.s32 $0xFFFFE800  }
0x2e: {  	[spmem:s13] =	stream.linear.scatter [tilespmem:s24], [sflag:$0x3], $0x1800, $0x38;
	[tilespmem:$0x1F000] =	vst v63  }
0x2f: {  	_ =	swait.ge [sflag:s25], $0x1800  }
0x30: {  	[sflag:s25] =	ssyncset.done $0x0  }
0x31: {  	[sflag:s25] =	ssyncadd.s32 $0xFFFFE800  }
0x32: {  	[spmem:s14] =	stream.linear.scatter [tilespmem:s24], [sflag:$0x3], $0x1800, $0x38;
	[tilespmem:$0x1F000] =	vst v63  }
0x33: {  	_ =	swait.ge [sflag:s25], $0x1800  }
0x34: {  	[sflag:s25] =	ssyncset.done $0x0  }
0x35: {  	[sflag:s25] =	ssyncadd.s32 $0xFFFFE800  }
0x36: {  	[spmem:s15] =	stream.linear.scatter [tilespmem:s24], [sflag:$0x3], $0x1800, $0x38;
	[tilespmem:$0x1F000] =	vst v63  }
0x37: {  	_ =	swait.ge [sflag:s25], $0x1800  }
0x38: {  	[sflag:s25] =	ssyncset.done $0x0  }
0x39: {  	[sflag:s25] =	ssyncadd.s32 $0xFFFFE800  }
0x3a: {  	[spmem:s16] =	stream.linear.scatter [tilespmem:s24], [sflag:$0x3], $0x1800, $0x38;
	[tilespmem:$0x1F000] =	vst v63  }
0x3b: {  	_ =	swait.ge [sflag:s25], $0x1800  }
0x3c: {  	[sflag:s25] =	ssyncset.done $0x0  }
0x3d: {  	[sflag:s25] =	ssyncadd.s32 $0xFFFFE800  }
0x3e: {  	[spmem:s17] =	stream.linear.scatter [tilespmem:s24], [sflag:$0x3], $0x1800, $0x38;
	[tilespmem:$0x1F000] =	vst v63  }
0x3f: {  	_ =	swait.ge [sflag:s25], $0x1800  }
0x40: {  	[sflag:s25] =	ssyncset.done $0x0  }
0x41: {  	[sflag:s25] =	ssyncadd.s32 $0xFFFFE800  }
0x42: {  	[spmem:s18] =	stream.linear.scatter [tilespmem:s24], [sflag:$0x3], $0x1800, $0x38;
	[tilespmem:$0x1F000] =	vst v63  }
0x43: {  	_ =	swait.ge [sflag:s25], $0x1800  }
0x44: {  	[sflag:s25] =	ssyncset.done $0x0  }
0x45: {  	[sflag:s25] =	ssyncadd.s32 $0xFFFFE800  }
0x46: {  	[spmem:s19] =	stream.linear.scatter [tilespmem:s24], [sflag:$0x3], $0x1800, $0x38;
	[tilespmem:$0x1F000] =	vst v63  }
0x47: {  	_ =	swait.ge [sflag:s25], $0x1800  }
0x48: {  	[sflag:s25] =	ssyncset.done $0x0  }
0x49: {  	[sflag:s25] =	ssyncadd.s32 $0xFFFFE800  }
0x4a: {  	[spmem:s20] =	stream.linear.scatter [tilespmem:s24], [sflag:$0x3], $0x1800, $0x38;
	[tilespmem:$0x1F000] =	vst v63  }
0x4b: {  	_ =	swait.ge [sflag:s25], $0x1800  }
0x4c: {  	[sflag:s25] =	ssyncset.done $0x0  }
0x4d: {  	[sflag:s25] =	ssyncadd.s32 $0xFFFFE800  }
0x4e: {  	[spmem:s21] =	stream.linear.scatter [tilespmem:s24], [sflag:$0x3], $0x1800, $0x38;
	[tilespmem:$0x1F000] =	vst v63  }
0x4f: {  	_ =	swait.ge [sflag:s25], $0x1800  }
0x50: {  	[sflag:s25] =	ssyncset.done $0x0  }
0x51: {  	[sflag:s25] =	ssyncadd.s32 $0xFFFFE800  }
0x52: {  	[spmem:s22] =	stream.linear.scatter [tilespmem:s24], [sflag:$0x3], $0x1800, $0x38;
	[tilespmem:$0x1F000] =	vst v63  }
0x53: {  	_ =	swait.ge [sflag:s25], $0x1800  }
0x54: {  	[sflag:s25] =	ssyncset.done $0x0  }
0x55: {  	[sflag:s25] =	ssyncadd.s32 $0xFFFFE800  }
0x56: {  	[spmem:s23] =	stream.linear.scatter [tilespmem:s24], [sflag:$0x3], $0x1800, $0x38;
	[tilespmem:$0x1F000] =	vst v63  }
0x57: {  	_ =	swait.ge [sflag:s25], $0x1800  }
0x58: {  	[sflag:s25] =	ssyncset.done $0x0  }
0x59: {  	s2 =	simm.s32 @!p0 $0x9F80;
	[sflag:s25] =	ssyncadd.s32 $0xFFFFE800  }
0x5a: {  	[spmem:s6] =	stream.linear.scatter @!p0 [tilespmem:s2], [sflag:$0x3], $0x800, $0x38;
	[tilespmem:$0x1F000] =	vst v63  }
0x5b: {  	s2 =	simm.s32 @!p0 $0x3  }
0x5c: {  	_ =	swait.ge @!p0 [sflag:s2], $0x800  }
0x5d: {  	[sflag:s2] =	ssyncset.done @!p0 $0x0  }
0x5e: {  	[sflag:s2] =	ssyncadd.s32 @!p0 $0xFFFFF800  }
0x5f: {  	[bflag:$0x0] =	sbarrier.arrive $0xFFFF  }
0x60: {  	s8 =	simm.s32 $0x0;
	s5 =	rddreg [dreg:$0x4]  }
0x61: {  	[tilespmem:s8], [sflag:$0x3] =	stream.linear.gather [hbm4b:s5+s8], $0x2710, $0x38;
	[tilespmem:$0x1F000] =	vst v63  }
0x62: {  	_ =	swait.ge [sflag:s25], $0x2710  }
0x63: {  	[sflag:s25] =	ssyncset.done $0x0  }
0x64: {  	s7 =	simm.s32 $0x2780;
	s10 =	rddreg [dreg:$0x3];
	[sflag:s25] =	ssyncadd.s32 $0xFFFFD8F0  }
0x65: {  	[tilespmem:s7], [sflag:$0x3] =	stream.linear.gather [hbm4b:s10+s8], $0x2710, $0x38;
	[tilespmem:$0x1F000] =	vst v63  }
0x66: {  	_ =	swait.ge [sflag:s25], $0x2710  }
0x67: {  	[sflag:s25] =	ssyncset.done $0x0  }
0x68: {  	[sflag:s25] =	ssyncadd.s32 $0xFFFFD8F0  }
0x69: {  	[tilespmem:s29], [sflag:$0x1] =	stream.indirect.gather [hbm4b:s4+s28], $0x80, s8, s28, $0xb8;
	[tilespmem:$0x1F000] =	vst v63  }
0x6a: {  	s7 =	simm.s32 $0x50  }
0x6b: {  	[tilespmem:s30], [sflag:$0x2] =	stream.indirect.gather [hbm4b:s4+s28], $0x80, s7, s28, $0xb8;
	[tilespmem:$0x1F000] =	vst v63  }
0x6c: {  	_ =	swait.ge [sflag:s31], $0x2800  }
0x6d: {  	[sflag:s31] =	ssyncset.done $0x0  }
0x6e: {  	s8 =	simm.s32 $0x0;
	[sflag:s31] =	ssyncadd.s32 $0xFFFFD800  }
0x6f: {  	v1 =	vld [tilespmem:s8+$0x2780];
	_ =	sdelay $0x4  }
0x70: {  	[tilespmem:$0x4F00] =	vst v1  }
0x71: {  	v1 =	vld [tilespmem:s8+$0x2790];
	_ =	sdelay $0x4  }
0x72: {  	[tilespmem:$0x4F10] =	vst v1  }
0x73: {  	v1 =	vld [tilespmem:s8+$0x27A0];
	_ =	sdelay $0x4  }
0x74: {  	[tilespmem:$0x4F20] =	vst v1  }
0x75: {  	v1 =	vld [tilespmem:s8+$0x27B0];
	_ =	sdelay $0x4  }
0x76: {  	[tilespmem:$0x4F30] =	vst v1  }
0x77: {  	v1 =	vld [tilespmem:s8+$0x27C0];
	_ =	sdelay $0x4  }
0x78: {  	[tilespmem:$0x4F40] =	vst v1  }
0x79: {  	[spmem:s1] =	stream.indirect.scatter.add.f32 [tilespmem:s29], [sflag:$0x3], $0x80, s0, s28, $0xb8;
	[tilespmem:$0x1F000] =	vst v63  }
0x7a: {  	_ =	swait.ge [sflag:s25], $0x2800  }
0x7b: {  	[sflag:s25] =	ssyncset.done $0x0  }
0x7c: {  	s10 =	simm.s32 $0xA0;
	[sflag:s25] =	ssyncadd.s32 $0xFFFFD800  }
0x7d: {  	[tilespmem:s29], [sflag:$0x1] =	stream.indirect.gather [hbm4b:s4+s28], $0x80, s10, s28, $0xb8;
	[tilespmem:$0x1F000] =	vst v63  }
0x7e: {  	_ =	swait.ge [sflag:s26], $0x2800  }
0x7f: {  	[sflag:s26] =	ssyncset.done $0x0  }
0x80: {  	[sflag:s26] =	ssyncadd.s32 $0xFFFFD800  }
0x81: {  	v1 =	vld [tilespmem:s8+$0x27D0];
	_ =	sdelay $0x4  }
0x82: {  	[tilespmem:$0x4F00] =	vst v1  }
0x83: {  	v1 =	vld [tilespmem:s8+$0x27E0];
	_ =	sdelay $0x4  }
0x84: {  	[tilespmem:$0x4F10] =	vst v1  }
0x85: {  	v1 =	vld [tilespmem:s8+$0x27F0];
	_ =	sdelay $0x4  }
0x86: {  	[tilespmem:$0x4F20] =	vst v1  }
0x87: {  	v1 =	vld [tilespmem:s8+$0x2800];
	_ =	sdelay $0x4  }
0x88: {  	[tilespmem:$0x4F30] =	vst v1  }
0x89: {  	v1 =	vld [tilespmem:s8+$0x2810];
	_ =	sdelay $0x4  }
0x8a: {  	[tilespmem:$0x4F40] =	vst v1  }
0x8b: {  	[spmem:s1] =	stream.indirect.scatter.add.f32 [tilespmem:s30], [sflag:$0x3], $0x80, s0, s28, $0xb8;
	[tilespmem:$0x1F000] =	vst v63  }
0x8c: {  	_ =	swait.ge [sflag:s25], $0x2800  }
0x8d: {  	s2 =	simm.s32 $0xA0;
	s7 =	simm.s32 $0x500;
	[sflag:s25] =	ssyncset.done $0x0  }
.LBB2_4:
0x8e: {  	s5 =	sadd.s32 $0x50, s2  }
0x8f: {  	[sflag:s25] =	ssyncadd.s32 $0xFFFFD800;
	s8 =	smov.u32 s7;
	s10 =	sadd.s32 $0x280, s7  }
0x90: {  	[tilespmem:s30], [sflag:$0x2] =	stream.indirect.gather [hbm4b:s4+s28], $0x80, s5, s28, $0xb8;
	[tilespmem:$0x1F000] =	vst v63  }
0x91: {  	p1 =	sne.s32 s7, $0x9880;
	_ =	swait.ge [sflag:s31], $0x2800  }
0x92: {  	[sflag:s31] =	ssyncset.done $0x0  }
0x93: {  	[sflag:s31] =	ssyncadd.s32 $0xFFFFD800  }
0x94: {  	v1 =	vld [tilespmem:s2+$0x2780];
	_ =	sdelay $0x4  }
0x95: {  	[tilespmem:$0x4F00] =	vst v1  }
0x96: {  	v1 =	vld [tilespmem:s2+$0x2790];
	_ =	sdelay $0x4  }
0x97: {  	[tilespmem:$0x4F10] =	vst v1  }
0x98: {  	v1 =	vld [tilespmem:s2+$0x27A0];
	_ =	sdelay $0x4  }
0x99: {  	[tilespmem:$0x4F20] =	vst v1  }
0x9a: {  	v1 =	vld [tilespmem:s2+$0x27B0];
	_ =	sdelay $0x4  }
0x9b: {  	[tilespmem:$0x4F30] =	vst v1  }
0x9c: {  	v1 =	vld [tilespmem:s2+$0x27C0];
	_ =	sdelay $0x4  }
0x9d: {  	[tilespmem:$0x4F40] =	vst v1  }
0x9e: {  	[spmem:s1] =	stream.indirect.scatter.add.f32 [tilespmem:s29], [sflag:$0x3], $0x80, s0, s28, $0xb8;
	[tilespmem:$0x1F000] =	vst v63  }
0x9f: {  	_ =	swait.ge [sflag:s25], $0x2800  }
0xa0: {  	[sflag:s25] =	ssyncset.done $0x0  }
0xa1: {  	s5 =	sadd.s32 $0xA0, s2;
	[sflag:s25] =	ssyncadd.s32 $0xFFFFD800  }
0xa2: {  	[tilespmem:s29], [sflag:$0x1] =	stream.indirect.gather [hbm4b:s4+s28], $0x80, s5, s28, $0xb8;
	[tilespmem:$0x1F000] =	vst v63  }
0xa3: {  	_ =	swait.ge [sflag:s26], $0x2800  }
0xa4: {  	[sflag:s26] =	ssyncset.done $0x0  }
0xa5: {  	[sflag:s26] =	ssyncadd.s32 $0xFFFFD800  }
0xa6: {  	v1 =	vld [tilespmem:s2+$0x27D0];
	_ =	sdelay $0x4  }
0xa7: {  	[tilespmem:$0x4F00] =	vst v1  }
0xa8: {  	v1 =	vld [tilespmem:s2+$0x27E0];
	_ =	sdelay $0x4  }
0xa9: {  	[tilespmem:$0x4F10] =	vst v1  }
0xaa: {  	v1 =	vld [tilespmem:s2+$0x27F0];
	_ =	sdelay $0x4  }
0xab: {  	[tilespmem:$0x4F20] =	vst v1  }
0xac: {  	v1 =	vld [tilespmem:s2+$0x2800];
	_ =	sdelay $0x4  }
0xad: {  	[tilespmem:$0x4F30] =	vst v1  }
0xae: {  	v1 =	vld [tilespmem:s2+$0x2810];
	_ =	sdelay $0x3  }
.Ltmp1:
0xaf: {  	(pc) =	sbr.rel @p1 .LBB2_4-.Ltmp1, $4  }
0xb0: {  	[tilespmem:$0x4F40] =	vst v1  }
0xb1: {  	[spmem:s1] =	stream.indirect.scatter.add.f32 [tilespmem:s30], [sflag:$0x3], $0x80, s0, s28, $0xb8;
	[tilespmem:$0x1F000] =	vst v63  }
0xb2: {  	_ =	swait.ge [sflag:s25], $0x2800  }
0xb3: {  	s7 =	smov.u32 s10;
	s2 =	sshra.s32 s8, $0x2;
	[sflag:s25] =	ssyncset.done $0x0  }
0xb4: {  	s5 =	sadd.s32 $0x50, s2;
	[sflag:s25] =	ssyncadd.s32 $0xFFFFD800  }
0xb5: {  	[tilespmem:s30], [sflag:$0x2] =	stream.indirect.gather [hbm4b:s4+s28], $0x80, s5, s28, $0xb8;
	[tilespmem:$0x1F000] =	vst v63  }
0xb6: {  	_ =	swait.ge [sflag:s31], $0x2800  }
0xb7: {  	[sflag:s31] =	ssyncset.done $0x0  }
0xb8: {  	[sflag:s31] =	ssyncadd.s32 $0xFFFFD800  }
0xb9: {  	v1 =	vld [tilespmem:s2+$0x2780];
	_ =	sdelay $0x4  }
0xba: {  	[tilespmem:$0x4F00] =	vst v1  }
0xbb: {  	v1 =	vld [tilespmem:s2+$0x2790];
	_ =	sdelay $0x4  }
0xbc: {  	[tilespmem:$0x4F10] =	vst v1  }
0xbd: {  	v1 =	vld [tilespmem:s2+$0x27A0];
	_ =	sdelay $0x4  }
0xbe: {  	[tilespmem:$0x4F20] =	vst v1  }
0xbf: {  	v1 =	vld [tilespmem:s2+$0x27B0];
	_ =	sdelay $0x4  }
0xc0: {  	[tilespmem:$0x4F30] =	vst v1  }
0xc1: {  	v1 =	vld [tilespmem:s2+$0x27C0];
	_ =	sdelay $0x4  }
0xc2: {  	[tilespmem:$0x4F40] =	vst v1  }
0xc3: {  	[spmem:s1] =	stream.indirect.scatter.add.f32 [tilespmem:s29], [sflag:$0x3], $0x80, s0, s28, $0xb8;
	[tilespmem:$0x1F000] =	vst v63  }
0xc4: {  	_ =	swait.ge [sflag:s25], $0x2800  }
0xc5: {  	[sflag:s25] =	ssyncset.done $0x0  }
0xc6: {  	s7 =	sadd.s32 $0xA0, s2;
	[sflag:s25] =	ssyncadd.s32 $0xFFFFD800  }
0xc7: {  	[tilespmem:s29], [sflag:$0x1] =	stream.indirect.gather [hbm4b:s4+s28], $0x80, s7, s28, $0xb8;
	[tilespmem:$0x1F000] =	vst v63  }
0xc8: {  	_ =	swait.ge [sflag:s26], $0x2800  }
0xc9: {  	[sflag:s26] =	ssyncset.done $0x0  }
0xca: {  	[sflag:s26] =	ssyncadd.s32 $0xFFFFD800  }
0xcb: {  	v1 =	vld [tilespmem:s2+$0x27D0];
	_ =	sdelay $0x4  }
0xcc: {  	[tilespmem:$0x4F00] =	vst v1  }
0xcd: {  	v1 =	vld [tilespmem:s2+$0x27E0];
	_ =	sdelay $0x4  }
0xce: {  	[tilespmem:$0x4F10] =	vst v1  }
0xcf: {  	v1 =	vld [tilespmem:s2+$0x27F0];
	_ =	sdelay $0x4  }
0xd0: {  	[tilespmem:$0x4F20] =	vst v1  }
0xd1: {  	v1 =	vld [tilespmem:s2+$0x2800];
	_ =	sdelay $0x4  }
0xd2: {  	[tilespmem:$0x4F30] =	vst v1  }
0xd3: {  	v1 =	vld [tilespmem:s2+$0x2810];
	_ =	sdelay $0x4  }
0xd4: {  	[tilespmem:$0x4F40] =	vst v1  }
0xd5: {  	[spmem:s1] =	stream.indirect.scatter.add.f32 [tilespmem:s30], [sflag:$0x3], $0x80, s0, s28, $0xb8;
	[tilespmem:$0x1F000] =	vst v63  }
0xd6: {  	_ =	swait.ge [sflag:s25], $0x2800  }
0xd7: {  	[sflag:s25] =	ssyncset.done $0x0  }
0xd8: {  	[sflag:s25] =	ssyncadd.s32 $0xFFFFD800  }
0xd9: {  	_ =	swait.ge [sflag:s31], $0x2800  }
0xda: {  	[sflag:s31] =	ssyncset.done $0x0  }
0xdb: {  	[sflag:s31] =	ssyncadd.s32 $0xFFFFD800  }
0xdc: {  	v1 =	vld [tilespmem:$0x4E40]  }
0xdd: {  	v2 =	vld [tilespmem:$0x4E50]  }
0xde: {  	v3 =	vld [tilespmem:$0x4E60]  }
0xdf: {  	v4 =	vld [tilespmem:$0x4E70]  }
0xe0: {  	v5 =	vld [tilespmem:$0x4E80]  }
0xe1: {  	[tilespmem:$0x4F00] =	vst v1  }
0xe2: {  	[tilespmem:$0x4F10] =	vst v2  }
0xe3: {  	[tilespmem:$0x4F20] =	vst v3  }
0xe4: {  	[tilespmem:$0x4F30] =	vst v4  }
0xe5: {  	[tilespmem:$0x4F40] =	vst v5  }
0xe6: {  	[spmem:s1] =	stream.indirect.scatter.add.f32 [tilespmem:s29], [sflag:$0x3], $0x80, s0, s28, $0xb8;
	[tilespmem:$0x1F000] =	vst v63  }
0xe7: {  	_ =	swait.ge [sflag:s25], $0x2800  }
0xe8: {  	[sflag:s25] =	ssyncset.done $0x0  }
0xe9: {  	s8 =	stileid.u32;
	[sflag:s25] =	ssyncadd.s32 $0xFFFFD800  }
0xea: {  	s2 =	sshll.u32 s8, $0x6;
	[bflag:$0x0] =	sbarrier.arrive $0xFFFF  }
0xeb: {  	s10 =	sshrl.u32 s9, $0x3;
	s2 =	sor.u32 $0x1C03, s2;
	s7 =	rddreg [dreg:$0x5]  }
0xec: {  	[hbm:s7], [sflag:s2] =	dma.local [spmem:s10], $0x2700  }
0xed: {  	_ =	swait.ge [sflag:s25], $0x2700  }
0xee: {  	s3 =	sadd.s32 $0x1, s3;
	s5 =	sshrl.u32 @!p0 s6, $0x3;
	[sflag:s25] =	ssyncset.done $0x0  }
0xef: {  	p1 =	sne.s32 s3, s11;
	s7 =	rddreg [dreg:$0x6];
	[sflag:s25] =	ssyncadd.s32 $0xFFFFD900  }
0xf0: {  	[hbm:s7], [sflag:s2] =	dma.local @!p0 [spmem:s5], $0x100  }
.Ltmp2:
0xf1: {  	_ = 	snop;
	(pc) =	sbr.rel @p1 .LBB2_1-.Ltmp2, $4  }
0xf2: {  	s2 =	simm.s32 @!p0 $0x3  }
0xf3: {  	_ =	swait.ge @!p0 [sflag:s2], $0x100  }
0xf4: {  	[sflag:s2] =	ssyncset.done @!p0 $0x0  }
0xf5: {  	[sflag:s2] =	ssyncadd.s32 @!p0 $0xFFFFFF00  }
0xf6: {  	_ =	sfence.sel $0x180000  }
0xf7: {  	[bflag:$0x0] =	sbarrier.arrive $0xFFFF  }
0xf8: {  	_ =	strace $0x90000047  }
0xf9: {  	s0 =	stileid.u32;
	[bflag:$0x2] =	sbarrier.arrive $0xFFFF  }
0xfa: {  	p0 =	sne.s32 s0, $0x0;
	s0 =	rddreg [dreg:$0x2]  }
0xfb: {  	s0 =	sadd.s32 @!p0 $0x100000, s0  }
0xfc: {  	[sflag:s0] =	ssyncadd.tile.s32 @!p0 $0x1;
	_ =	shalt  }
.Lfunc_end2:
_tile_overlayer_lowered:
.L_overlay_start_2:
0xfd: {  	(tag) =	ssettag $0x2  }
0xfe: {  	s0 =	rddreg [dreg:$0x0];
	s2 =	stileid.u32  }
0xff: {  	s1 =	rddreg [dreg:$0x1];
	p0 =	sne.s32 s2, $0x0  }
0x100: {  	s3 =	rddreg [dreg:$0x2];
	[bflag:$0x3] =	sbarrier.arrive $0xFFFF;
	s2 =	simm.s32 @!p0 $0x1C03  }
0x101: {  	[timem:s3], [sflag:s2] =	dma.local @!p0 [hbm:s0], s1  }
0x102: {  	s0 =	simm.s32 @!p0 $0x3  }
0x103: {  	_ =	swait.ge @!p0 [sflag:s0], s1  }
0x104: {  	s1 =	ssub.s32 @!p0 $0x0, s1;
	[sflag:s0] =	ssyncset.done @!p0 $0x0  }
0x105: {  	[sflag:s0] =	ssyncadd.s32 @!p0 s1  }
0x106: {  	[bflag:$0x3] =	sbarrier.arrive $0xFFFF  }
0x107: {  	_ =	shalt  }

</sc_bundles>
